<compile_context>
chip_gen: v7x
topology: tpu7x:2x2x1
jax: 0.10.2.dev20260603
libtpu: 0.0.44.dev20260713+nightly
codegen_flags: <defaults>
</compile_context>

<pallas_src>
import functools
import math

import numpy as np
import jax
import jax.numpy as jnp
from jax import lax
from jax.experimental import pallas as pl
from jax.experimental.pallas import tpu as pltpu
from jax.experimental.pallas import tpu_sc as plsc

_NUM_EMBED = 1000000
_D = 64
_L = 200
_B = 4096
_NW = 32
_FLAT = _B * _L
_ROWS_W = _FLAT // _NW
_CH = _L
_NCH = _ROWS_W // _CH
_NBUF = 4
_LA = 3
_SUBS = ((0, 128), (128, 72))


def _pe_pattern() -> np.ndarray:
    position = np.arange(0, _L, dtype=np.float32)[:, None]
    div_term = np.exp(
        np.arange(0, _D, 2, dtype=np.float32) * (-math.log(10000.0) / _D))
    pe = np.zeros((_L, _D), dtype=np.float32)
    pe[:, 0::2] = np.sin(position * div_term)
    pe[:, 1::2] = np.cos(position * div_term)
    return pe


def kernel(x, table):
    x_flat = x.reshape(_FLAT)
    pe_rep = jnp.asarray(_pe_pattern())

    mesh = plsc.VectorSubcoreMesh(core_axis_name="c", subcore_axis_name="s")

    @functools.partial(
        pl.kernel,
        mesh=mesh,
        compiler_params=pltpu.CompilerParams(use_tc_tiling_on_sc=False),
        out_type=jax.ShapeDtypeStruct((_FLAT, _D), jnp.float32),
        scratch_types=[
            pltpu.VMEM((_ROWS_W,), jnp.int32),
            pltpu.VMEM((_NBUF, _CH, _D), jnp.float32),
            pltpu.VMEM((_CH, _D), jnp.float32),
            [pltpu.SemaphoreType.DMA] * _NBUF,
            [pltpu.SemaphoreType.DMA] * _NBUF,
        ],
    )
    def run(x_hbm, pe_hbm, table_hbm, out_hbm, idx_v, bufs, pe_v, gsems, wsems):
        nc = 2
        wid = lax.axis_index("s") * nc + lax.axis_index("c")
        base = wid * _ROWS_W
        pltpu.sync_copy(x_hbm.at[pl.ds(base, _ROWS_W)], idx_v)
        pltpu.sync_copy(pe_hbm, pe_v)

        def fire(c, b):
            for off, n in _SUBS:
                pltpu.async_copy(
                    table_hbm.at[idx_v.at[pl.ds(c * _CH + off, n)]],
                    bufs.at[b, pl.ds(off, n)],
                    gsems[b],
                )

        def wait_gathers(b):
            for off, n in _SUBS:
                pltpu.make_async_copy(
                    table_hbm.at[idx_v.at[pl.ds(off, n)]],
                    bufs.at[b, pl.ds(off, n)],
                    gsems[b],
                ).wait()

        def wait_writeback(b):
            if False:
                pltpu.make_async_copy(
                    bufs.at[b], out_hbm.at[pl.ds(0, _CH)], wsems[b]).wait()

        for c0 in range(_LA):
            fire(c0, c0 % _NBUF)

        @pl.loop(0, _NCH, step=_NBUF)
        def chunk_body(c):
            for b in range(_NBUF):
                cc = c + b
                nb = (b + _LA) % _NBUF

                @pl.when(cc + _LA < _NCH)
                def _():
                    @pl.when(cc >= _NBUF - _LA)
                    def _():
                        wait_writeback(nb)

                    fire(cc + _LA, nb)

                wait_gathers(b)

                if False:
                    @plsc.parallel_loop(0, _CH, unroll=8)
                    def add_row(r):
                        for col in range(0, _D, 16):
                            plsc.addupdate(
                                bufs.at[b, r, pl.ds(col, 16)],
                                pe_v[r, pl.ds(col, 16)])

                if False:
                    pltpu.async_copy(
                        bufs.at[b],
                        out_hbm.at[pl.ds(base + cc * _CH, _CH)],
                        wsems[b])

        for b in range(_NBUF):
            wait_writeback(b)

    out = run(x_flat, pe_rep, table)
    return out.reshape(_B, _L, _D)

# --- scband reference (transcript-rebuilt; emitter-appended) ---
"""Pipeline reference for scband-embedding-10179072491902 (READ-ONLY COPY).

The authoritative reference and input builder live on the scoring server;
editing this copy changes nothing except your own understanding.
"""

import math
import jax, jax.numpy as jnp
import numpy as np

NUM_EMBED = 1000000
EMBED_DIM = 64
MAX_LEN = 200
BATCH = 4096
SEQ_LEN = 200


def _make_pe(embed_dim: int, max_len: int) -> jnp.ndarray:
    position = np.arange(0, max_len, dtype=np.float32)[:, None]
    div_term = np.exp(np.arange(0, embed_dim, 2, dtype=np.float32) * (-math.log(10000.0) / embed_dim))
    pe = np.zeros((max_len, embed_dim), dtype=np.float32)
    pe[:, 0::2] = np.sin(position * div_term)
    pe[:, 1::2] = np.cos(position * div_term)
    return jnp.asarray(pe)[None, :, :]  # [1, max_len, embed_dim]


def setup_inputs(seed: int = 0) -> dict:
    key = jax.random.key(seed)
    k_idx, k_tab = jax.random.split(key)
    x = jax.random.randint(k_idx, (BATCH, SEQ_LEN), 0, NUM_EMBED, dtype=jnp.int32)
    # nn.Embedding default init: N(0, 1)
    table = jax.random.normal(k_tab, (NUM_EMBED, EMBED_DIM), dtype=jnp.float32)
    return {"x": x, "table": table}


def reference(x, table):
    # Embedding lookup (gather)
    emb = jnp.take(table, x, axis=0)  # [B, L, D]
    # Positional encoding add (buffer, non-learned)
    pe = _make_pe(EMBED_DIM, MAX_LEN)
    out = emb + pe[:, : x.shape[1]]
    # dropout p=0.0 -> identity
    return out

if __name__ == "__main__":
    import jax
    _d = setup_inputs()
    print(jax.jit(kernel)(*tuple(_d.values())))

</pallas_src>

<mosaic_0001>
#map = affine_map<(d0, d1) -> (0)>
#map1 = affine_map<(d0, d1) -> (0, 0)>
module attributes {stable_mosaic.version = 14 : i64} {
  func.func @run(%arg0: i32, %arg1: i32, %arg2: memref<819200xi32, #tpu.memory_space<hbm>>, %arg3: memref<200x64xf32, #tpu.memory_space<hbm>>, %arg4: memref<1000000x64xf32, #tpu.memory_space<hbm>>, %arg5: memref<819200x64xf32, #tpu.memory_space<hbm>>, %arg6: memref<25600xi32, #tpu.memory_space<vmem>>, %arg7: memref<4x200x64xf32, #tpu.memory_space<vmem>>, %arg8: memref<200x64xf32, #tpu.memory_space<vmem>>, %arg9: memref<!tpu.dma_semaphore, #tpu.memory_space<semaphore_mem>>, %arg10: memref<!tpu.dma_semaphore, #tpu.memory_space<semaphore_mem>>, %arg11: memref<!tpu.dma_semaphore, #tpu.memory_space<semaphore_mem>>, %arg12: memref<!tpu.dma_semaphore, #tpu.memory_space<semaphore_mem>>, %arg13: memref<!tpu.dma_semaphore, #tpu.memory_space<semaphore_mem>>, %arg14: memref<!tpu.dma_semaphore, #tpu.memory_space<semaphore_mem>>, %arg15: memref<!tpu.dma_semaphore, #tpu.memory_space<semaphore_mem>>, %arg16: memref<!tpu.dma_semaphore, #tpu.memory_space<semaphore_mem>>) attributes {dimension_semantics = [#tpu.dimension_semantics<core_parallel>, #tpu.dimension_semantics<subcore_parallel>], iteration_bounds = array<i64: 2, 16>, scalar_prefetch = 0 : i64, scratch_operands = 11 : i64, tpu.core_type = #tpu.core_type<sc_vector_subcore>, window_params = [{transform_indices = #map}, {transform_indices = #map1}, {transform_indices = #map1}, {transform_indices = #map1}]} {
    %mul3A = arith.constant 2 : i32
    %mul3A_0 = arith.muli %arg1, %mul3A : i32
    %add3A = arith.addi %mul3A_0, %arg0 : i32
    %mul3A_1 = arith.constant 25600 : i32
    %mul3A_2 = arith.muli %add3A, %mul3A_1 : i32
    "tpu.region"() ({
      %run_scoped3A = tpu.sem_alloc : memref<!tpu.dma_semaphore, #tpu.memory_space<semaphore_mem>>
      %dma_start3A_66 = tpu.memref_slice %arg2[%mul3A_2] : memref<819200xi32, #tpu.memory_space<hbm>> -> memref<25600xi32, #tpu.memory_space<hbm>>
      %dma_start3A_67 = tpu.memref_slice %arg2[%mul3A_2] : memref<819200xi32, #tpu.memory_space<hbm>> -> memref<25600xi32, #tpu.memory_space<hbm>>
      tpu.enqueue_dma source(%dma_start3A_67 : memref<25600xi32, #tpu.memory_space<hbm>>) target(%arg6 : memref<25600xi32, #tpu.memory_space<vmem>>) target_semaphore(%run_scoped3A : memref<!tpu.dma_semaphore, #tpu.memory_space<semaphore_mem>>)
      %dma_wait3A = tpu.memref_slice %arg2[%mul3A_2] : memref<819200xi32, #tpu.memory_space<hbm>> -> memref<25600xi32, #tpu.memory_space<hbm>>
      %dma_wait3A_68 = tpu.memref_slice %arg2[%mul3A_2] : memref<819200xi32, #tpu.memory_space<hbm>> -> memref<25600xi32, #tpu.memory_space<hbm>>
      tpu.wait_dma2 semaphore(%run_scoped3A : memref<!tpu.dma_semaphore, #tpu.memory_space<semaphore_mem>>) src(%dma_wait3A_68 : memref<25600xi32, #tpu.memory_space<hbm>>) dst(%arg6 : memref<25600xi32, #tpu.memory_space<vmem>>)
      tpu.yield
    }) : () -> ()
    "tpu.region"() ({
      %run_scoped3A = tpu.sem_alloc : memref<!tpu.dma_semaphore, #tpu.memory_space<semaphore_mem>>
      tpu.enqueue_dma source(%arg3 : memref<200x64xf32, #tpu.memory_space<hbm>>) target(%arg8 : memref<200x64xf32, #tpu.memory_space<vmem>>) target_semaphore(%run_scoped3A : memref<!tpu.dma_semaphore, #tpu.memory_space<semaphore_mem>>)
      tpu.wait_dma2 semaphore(%run_scoped3A : memref<!tpu.dma_semaphore, #tpu.memory_space<semaphore_mem>>) src(%arg3 : memref<200x64xf32, #tpu.memory_space<hbm>>) dst(%arg8 : memref<200x64xf32, #tpu.memory_space<vmem>>)
      tpu.yield
    }) : () -> ()
    %dma_start3A = arith.constant 0 : i32
    %dma_start3A_3 = arith.constant 0 : i32
    %dma_start3A_4 = arith.constant 0 : i32
    %dma_start3A_5 = tpu.memref_slice %arg7[%dma_start3A, %dma_start3A_3, %dma_start3A_4] : memref<4x200x64xf32, #tpu.memory_space<vmem>> -> memref<1x128x64xf32, #tpu.memory_space<vmem>>
    %dma_start3A_6 = tpu.memref_squeeze %dma_start3A_5 : memref<1x128x64xf32, #tpu.memory_space<vmem>> -> memref<128x64xf32, #tpu.memory_space<vmem>>
    %dma_start3A_7 = arith.constant 0 : i32
    %dma_start3A_8 = tpu.memref_slice %arg6[%dma_start3A_7] : memref<25600xi32, #tpu.memory_space<vmem>> -> memref<128xi32, #tpu.memory_space<vmem>>
    %dma_start3A_9 = arith.constant 0 : i32
    %dma_start3A_10 = arith.constant 0 : i32
    %dma_start3A_11 = tpu.memref_slice %arg4[%dma_start3A_9, %dma_start3A_10] : memref<1000000x64xf32, #tpu.memory_space<hbm>> -> memref<1000000x64xf32, #tpu.memory_space<hbm>>
    tpu.enqueue_indirect_dma source(%dma_start3A_11 : memref<1000000x64xf32, #tpu.memory_space<hbm>>) target(%dma_start3A_6 : memref<128x64xf32, #tpu.memory_space<vmem>>) offsets(%dma_start3A_8 : memref<128xi32, #tpu.memory_space<vmem>>) semaphore(%arg9 : memref<!tpu.dma_semaphore, #tpu.memory_space<semaphore_mem>>)
    %dma_start3A_12 = arith.constant 0 : i32
    %dma_start3A_13 = arith.constant 128 : i32
    %dma_start3A_14 = arith.constant 0 : i32
    %dma_start3A_15 = tpu.memref_slice %arg7[%dma_start3A_12, %dma_start3A_13, %dma_start3A_14] : memref<4x200x64xf32, #tpu.memory_space<vmem>> -> memref<1x72x64xf32, #tpu.memory_space<vmem>>
    %dma_start3A_16 = tpu.memref_squeeze %dma_start3A_15 : memref<1x72x64xf32, #tpu.memory_space<vmem>> -> memref<72x64xf32, #tpu.memory_space<vmem>>
    %dma_start3A_17 = arith.constant 128 : i32
    %dma_start3A_18 = tpu.memref_slice %arg6[%dma_start3A_17] : memref<25600xi32, #tpu.memory_space<vmem>> -> memref<72xi32, #tpu.memory_space<vmem>>
    %dma_start3A_19 = arith.constant 0 : i32
    %dma_start3A_20 = arith.constant 0 : i32
    %dma_start3A_21 = tpu.memref_slice %arg4[%dma_start3A_19, %dma_start3A_20] : memref<1000000x64xf32, #tpu.memory_space<hbm>> -> memref<1000000x64xf32, #tpu.memory_space<hbm>>
    tpu.enqueue_indirect_dma source(%dma_start3A_21 : memref<1000000x64xf32, #tpu.memory_space<hbm>>) target(%dma_start3A_16 : memref<72x64xf32, #tpu.memory_space<vmem>>) offsets(%dma_start3A_18 : memref<72xi32, #tpu.memory_space<vmem>>) semaphore(%arg9 : memref<!tpu.dma_semaphore, #tpu.memory_space<semaphore_mem>>)
    %dma_start3A_22 = arith.constant 1 : i32
    %dma_start3A_23 = arith.constant 0 : i32
    %dma_start3A_24 = arith.constant 0 : i32
    %dma_start3A_25 = tpu.memref_slice %arg7[%dma_start3A_22, %dma_start3A_23, %dma_start3A_24] : memref<4x200x64xf32, #tpu.memory_space<vmem>> -> memref<1x128x64xf32, #tpu.memory_space<vmem>>
    %dma_start3A_26 = tpu.memref_squeeze %dma_start3A_25 : memref<1x128x64xf32, #tpu.memory_space<vmem>> -> memref<128x64xf32, #tpu.memory_space<vmem>>
    %dma_start3A_27 = arith.constant 200 : i32
    %dma_start3A_28 = tpu.memref_slice %arg6[%dma_start3A_27] : memref<25600xi32, #tpu.memory_space<vmem>> -> memref<128xi32, #tpu.memory_space<vmem>>
    %dma_start3A_29 = arith.constant 0 : i32
    %dma_start3A_30 = arith.constant 0 : i32
    %dma_start3A_31 = tpu.memref_slice %arg4[%dma_start3A_29, %dma_start3A_30] : memref<1000000x64xf32, #tpu.memory_space<hbm>> -> memref<1000000x64xf32, #tpu.memory_space<hbm>>
    tpu.enqueue_indirect_dma source(%dma_start3A_31 : memref<1000000x64xf32, #tpu.memory_space<hbm>>) target(%dma_start3A_26 : memref<128x64xf32, #tpu.memory_space<vmem>>) offsets(%dma_start3A_28 : memref<128xi32, #tpu.memory_space<vmem>>) semaphore(%arg10 : memref<!tpu.dma_semaphore, #tpu.memory_space<semaphore_mem>>)
    %dma_start3A_32 = arith.constant 1 : i32
    %dma_start3A_33 = arith.constant 128 : i32
    %dma_start3A_34 = arith.constant 0 : i32
    %dma_start3A_35 = tpu.memref_slice %arg7[%dma_start3A_32, %dma_start3A_33, %dma_start3A_34] : memref<4x200x64xf32, #tpu.memory_space<vmem>> -> memref<1x72x64xf32, #tpu.memory_space<vmem>>
    %dma_start3A_36 = tpu.memref_squeeze %dma_start3A_35 : memref<1x72x64xf32, #tpu.memory_space<vmem>> -> memref<72x64xf32, #tpu.memory_space<vmem>>
    %dma_start3A_37 = arith.constant 328 : i32
    %dma_start3A_38 = tpu.memref_slice %arg6[%dma_start3A_37] : memref<25600xi32, #tpu.memory_space<vmem>> -> memref<72xi32, #tpu.memory_space<vmem>>
    %dma_start3A_39 = arith.constant 0 : i32
    %dma_start3A_40 = arith.constant 0 : i32
    %dma_start3A_41 = tpu.memref_slice %arg4[%dma_start3A_39, %dma_start3A_40] : memref<1000000x64xf32, #tpu.memory_space<hbm>> -> memref<1000000x64xf32, #tpu.memory_space<hbm>>
    tpu.enqueue_indirect_dma source(%dma_start3A_41 : memref<1000000x64xf32, #tpu.memory_space<hbm>>) target(%dma_start3A_36 : memref<72x64xf32, #tpu.memory_space<vmem>>) offsets(%dma_start3A_38 : memref<72xi32, #tpu.memory_space<vmem>>) semaphore(%arg10 : memref<!tpu.dma_semaphore, #tpu.memory_space<semaphore_mem>>)
    %dma_start3A_42 = arith.constant 2 : i32
    %dma_start3A_43 = arith.constant 0 : i32
    %dma_start3A_44 = arith.constant 0 : i32
    %dma_start3A_45 = tpu.memref_slice %arg7[%dma_start3A_42, %dma_start3A_43, %dma_start3A_44] : memref<4x200x64xf32, #tpu.memory_space<vmem>> -> memref<1x128x64xf32, #tpu.memory_space<vmem>>
    %dma_start3A_46 = tpu.memref_squeeze %dma_start3A_45 : memref<1x128x64xf32, #tpu.memory_space<vmem>> -> memref<128x64xf32, #tpu.memory_space<vmem>>
    %dma_start3A_47 = arith.constant 400 : i32
    %dma_start3A_48 = tpu.memref_slice %arg6[%dma_start3A_47] : memref<25600xi32, #tpu.memory_space<vmem>> -> memref<128xi32, #tpu.memory_space<vmem>>
    %dma_start3A_49 = arith.constant 0 : i32
    %dma_start3A_50 = arith.constant 0 : i32
    %dma_start3A_51 = tpu.memref_slice %arg4[%dma_start3A_49, %dma_start3A_50] : memref<1000000x64xf32, #tpu.memory_space<hbm>> -> memref<1000000x64xf32, #tpu.memory_space<hbm>>
    tpu.enqueue_indirect_dma source(%dma_start3A_51 : memref<1000000x64xf32, #tpu.memory_space<hbm>>) target(%dma_start3A_46 : memref<128x64xf32, #tpu.memory_space<vmem>>) offsets(%dma_start3A_48 : memref<128xi32, #tpu.memory_space<vmem>>) semaphore(%arg11 : memref<!tpu.dma_semaphore, #tpu.memory_space<semaphore_mem>>)
    %dma_start3A_52 = arith.constant 2 : i32
    %dma_start3A_53 = arith.constant 128 : i32
    %dma_start3A_54 = arith.constant 0 : i32
    %dma_start3A_55 = tpu.memref_slice %arg7[%dma_start3A_52, %dma_start3A_53, %dma_start3A_54] : memref<4x200x64xf32, #tpu.memory_space<vmem>> -> memref<1x72x64xf32, #tpu.memory_space<vmem>>
    %dma_start3A_56 = tpu.memref_squeeze %dma_start3A_55 : memref<1x72x64xf32, #tpu.memory_space<vmem>> -> memref<72x64xf32, #tpu.memory_space<vmem>>
    %dma_start3A_57 = arith.constant 528 : i32
    %dma_start3A_58 = tpu.memref_slice %arg6[%dma_start3A_57] : memref<25600xi32, #tpu.memory_space<vmem>> -> memref<72xi32, #tpu.memory_space<vmem>>
    %dma_start3A_59 = arith.constant 0 : i32
    %dma_start3A_60 = arith.constant 0 : i32
    %dma_start3A_61 = tpu.memref_slice %arg4[%dma_start3A_59, %dma_start3A_60] : memref<1000000x64xf32, #tpu.memory_space<hbm>> -> memref<1000000x64xf32, #tpu.memory_space<hbm>>
    tpu.enqueue_indirect_dma source(%dma_start3A_61 : memref<1000000x64xf32, #tpu.memory_space<hbm>>) target(%dma_start3A_56 : memref<72x64xf32, #tpu.memory_space<vmem>>) offsets(%dma_start3A_58 : memref<72xi32, #tpu.memory_space<vmem>>) semaphore(%arg11 : memref<!tpu.dma_semaphore, #tpu.memory_space<semaphore_mem>>)
    %scan3A = arith.constant 0 : i32
    %scan3A_62 = arith.constant 32 : i32
    %scan3A_63 = arith.addi %scan3A, %scan3A_62 : i32
    %scan3A_64 = arith.constant 1 : i32
    scf.for %scan3A_66 = %scan3A to %scan3A_63 step %scan3A_64  : i32 {
      %mul3A_67 = arith.constant 4 : i32
      %mul3A_68 = arith.muli %scan3A_66, %mul3A_67 : i32
      %add3A_69 = arith.constant 0 : i32
      %add3A_70 = arith.addi %add3A_69, %mul3A_68 : i32
      %add3A_71 = arith.constant 0 : i32
      %add3A_72 = arith.addi %add3A_70, %add3A_71 : i32
      %add3A_73 = arith.constant 3 : i32
      %add3A_74 = arith.addi %add3A_72, %add3A_73 : i32
      %lt3A = arith.constant 128 : i32
      %lt3A_75 = arith.cmpi slt, %add3A_74, %lt3A : i32
      %convert_element_type3A = arith.extui %lt3A_75 : i1 to i32
      %cond3A = arith.constant 0 : i32
      %cond3A_76 = arith.cmpi ne, %convert_element_type3A, %cond3A : i32
      scf.if %cond3A_76 {
        %ge3A = arith.constant 1 : i32
        %ge3A_183 = arith.cmpi sge, %add3A_72, %ge3A : i32
        %convert_element_type3A_184 = arith.extui %ge3A_183 : i1 to i32
        %cond3A_185 = arith.constant 0 : i32
        %cond3A_186 = arith.cmpi ne, %convert_element_type3A_184, %cond3A_185 : i32
        scf.if %cond3A_186 {
        } else {
        }
        %add3A_187 = arith.constant 3 : i32
        %add3A_188 = arith.addi %add3A_72, %add3A_187 : i32
        %mul3A_189 = arith.constant 200 : i32
        %mul3A_190 = arith.muli %add3A_188, %mul3A_189 : i32
        %add3A_191 = arith.constant 0 : i32
        %add3A_192 = arith.addi %mul3A_190, %add3A_191 : i32
        %dma_start3A_193 = arith.constant 3 : i32
        %dma_start3A_194 = arith.constant 0 : i32
        %dma_start3A_195 = arith.constant 0 : i32
        %dma_start3A_196 = tpu.memref_slice %arg7[%dma_start3A_193, %dma_start3A_194, %dma_start3A_195] : memref<4x200x64xf32, #tpu.memory_space<vmem>> -> memref<1x128x64xf32, #tpu.memory_space<vmem>>
        %dma_start3A_197 = tpu.memref_squeeze %dma_start3A_196 : memref<1x128x64xf32, #tpu.memory_space<vmem>> -> memref<128x64xf32, #tpu.memory_space<vmem>>
        %dma_start3A_198 = tpu.memref_slice %arg6[%add3A_192] : memref<25600xi32, #tpu.memory_space<vmem>> -> memref<128xi32, #tpu.memory_space<vmem>>
        %dma_start3A_199 = arith.constant 0 : i32
        %dma_start3A_200 = arith.constant 0 : i32
        %dma_start3A_201 = tpu.memref_slice %arg4[%dma_start3A_199, %dma_start3A_200] : memref<1000000x64xf32, #tpu.memory_space<hbm>> -> memref<1000000x64xf32, #tpu.memory_space<hbm>>
        tpu.enqueue_indirect_dma source(%dma_start3A_201 : memref<1000000x64xf32, #tpu.memory_space<hbm>>) target(%dma_start3A_197 : memref<128x64xf32, #tpu.memory_space<vmem>>) offsets(%dma_start3A_198 : memref<128xi32, #tpu.memory_space<vmem>>) semaphore(%arg12 : memref<!tpu.dma_semaphore, #tpu.memory_space<semaphore_mem>>)
        %mul3A_202 = arith.constant 200 : i32
        %mul3A_203 = arith.muli %add3A_188, %mul3A_202 : i32
        %add3A_204 = arith.constant 128 : i32
        %add3A_205 = arith.addi %mul3A_203, %add3A_204 : i32
        %dma_start3A_206 = arith.constant 3 : i32
        %dma_start3A_207 = arith.constant 128 : i32
        %dma_start3A_208 = arith.constant 0 : i32
        %dma_start3A_209 = tpu.memref_slice %arg7[%dma_start3A_206, %dma_start3A_207, %dma_start3A_208] : memref<4x200x64xf32, #tpu.memory_space<vmem>> -> memref<1x72x64xf32, #tpu.memory_space<vmem>>
        %dma_start3A_210 = tpu.memref_squeeze %dma_start3A_209 : memref<1x72x64xf32, #tpu.memory_space<vmem>> -> memref<72x64xf32, #tpu.memory_space<vmem>>
        %dma_start3A_211 = tpu.memref_slice %arg6[%add3A_205] : memref<25600xi32, #tpu.memory_space<vmem>> -> memref<72xi32, #tpu.memory_space<vmem>>
        %dma_start3A_212 = arith.constant 0 : i32
        %dma_start3A_213 = arith.constant 0 : i32
        %dma_start3A_214 = tpu.memref_slice %arg4[%dma_start3A_212, %dma_start3A_213] : memref<1000000x64xf32, #tpu.memory_space<hbm>> -> memref<1000000x64xf32, #tpu.memory_space<hbm>>
        tpu.enqueue_indirect_dma source(%dma_start3A_214 : memref<1000000x64xf32, #tpu.memory_space<hbm>>) target(%dma_start3A_210 : memref<72x64xf32, #tpu.memory_space<vmem>>) offsets(%dma_start3A_211 : memref<72xi32, #tpu.memory_space<vmem>>) semaphore(%arg12 : memref<!tpu.dma_semaphore, #tpu.memory_space<semaphore_mem>>)
      } else {
      }
      %dma_wait3A = arith.constant 0 : i32
      %dma_wait3A_77 = arith.constant 0 : i32
      %dma_wait3A_78 = arith.constant 0 : i32
      %dma_wait3A_79 = tpu.memref_slice %arg7[%dma_wait3A, %dma_wait3A_77, %dma_wait3A_78] : memref<4x200x64xf32, #tpu.memory_space<vmem>> -> memref<1x128x64xf32, #tpu.memory_space<vmem>>
      %dma_wait3A_80 = tpu.memref_squeeze %dma_wait3A_79 : memref<1x128x64xf32, #tpu.memory_space<vmem>> -> memref<128x64xf32, #tpu.memory_space<vmem>>
      %dma_wait3A_81 = arith.constant 0 : i32
      %dma_wait3A_82 = tpu.memref_slice %arg6[%dma_wait3A_81] : memref<25600xi32, #tpu.memory_space<vmem>> -> memref<128xi32, #tpu.memory_space<vmem>>
      %dma_wait3A_83 = arith.constant 0 : i32
      %dma_wait3A_84 = arith.constant 0 : i32
      %dma_wait3A_85 = tpu.memref_slice %arg4[%dma_wait3A_83, %dma_wait3A_84] : memref<1000000x64xf32, #tpu.memory_space<hbm>> -> memref<1000000x64xf32, #tpu.memory_space<hbm>>
      tpu.wait_indirect_dma semaphore(%arg9 : memref<!tpu.dma_semaphore, #tpu.memory_space<semaphore_mem>>) src(%dma_wait3A_85 : memref<1000000x64xf32, #tpu.memory_space<hbm>>) dst(%dma_wait3A_80 : memref<128x64xf32, #tpu.memory_space<vmem>>)
      %dma_wait3A_86 = arith.constant 0 : i32
      %dma_wait3A_87 = arith.constant 128 : i32
      %dma_wait3A_88 = arith.constant 0 : i32
      %dma_wait3A_89 = tpu.memref_slice %arg7[%dma_wait3A_86, %dma_wait3A_87, %dma_wait3A_88] : memref<4x200x64xf32, #tpu.memory_space<vmem>> -> memref<1x72x64xf32, #tpu.memory_space<vmem>>
      %dma_wait3A_90 = tpu.memref_squeeze %dma_wait3A_89 : memref<1x72x64xf32, #tpu.memory_space<vmem>> -> memref<72x64xf32, #tpu.memory_space<vmem>>
      %dma_wait3A_91 = arith.constant 128 : i32
      %dma_wait3A_92 = tpu.memref_slice %arg6[%dma_wait3A_91] : memref<25600xi32, #tpu.memory_space<vmem>> -> memref<72xi32, #tpu.memory_space<vmem>>
      %dma_wait3A_93 = arith.constant 0 : i32
      %dma_wait3A_94 = arith.constant 0 : i32
      %dma_wait3A_95 = tpu.memref_slice %arg4[%dma_wait3A_93, %dma_wait3A_94] : memref<1000000x64xf32, #tpu.memory_space<hbm>> -> memref<1000000x64xf32, #tpu.memory_space<hbm>>
      tpu.wait_indirect_dma semaphore(%arg9 : memref<!tpu.dma_semaphore, #tpu.memory_space<semaphore_mem>>) src(%dma_wait3A_95 : memref<1000000x64xf32, #tpu.memory_space<hbm>>) dst(%dma_wait3A_90 : memref<72x64xf32, #tpu.memory_space<vmem>>)
      %add3A_96 = arith.constant 1 : i32
      %add3A_97 = arith.addi %add3A_70, %add3A_96 : i32
      %add3A_98 = arith.constant 3 : i32
      %add3A_99 = arith.addi %add3A_97, %add3A_98 : i32
      %lt3A_100 = arith.constant 128 : i32
      %lt3A_101 = arith.cmpi slt, %add3A_99, %lt3A_100 : i32
      %convert_element_type3A_102 = arith.extui %lt3A_101 : i1 to i32
      %cond3A_103 = arith.constant 0 : i32
      %cond3A_104 = arith.cmpi ne, %convert_element_type3A_102, %cond3A_103 : i32
      scf.if %cond3A_104 {
        %ge3A = arith.constant 1 : i32
        %ge3A_183 = arith.cmpi sge, %add3A_97, %ge3A : i32
        %convert_element_type3A_184 = arith.extui %ge3A_183 : i1 to i32
        %cond3A_185 = arith.constant 0 : i32
        %cond3A_186 = arith.cmpi ne, %convert_element_type3A_184, %cond3A_185 : i32
        scf.if %cond3A_186 {
        } else {
        }
        %add3A_187 = arith.constant 3 : i32
        %add3A_188 = arith.addi %add3A_97, %add3A_187 : i32
        %mul3A_189 = arith.constant 200 : i32
        %mul3A_190 = arith.muli %add3A_188, %mul3A_189 : i32
        %add3A_191 = arith.constant 0 : i32
        %add3A_192 = arith.addi %mul3A_190, %add3A_191 : i32
        %dma_start3A_193 = arith.constant 0 : i32
        %dma_start3A_194 = arith.constant 0 : i32
        %dma_start3A_195 = arith.constant 0 : i32
        %dma_start3A_196 = tpu.memref_slice %arg7[%dma_start3A_193, %dma_start3A_194, %dma_start3A_195] : memref<4x200x64xf32, #tpu.memory_space<vmem>> -> memref<1x128x64xf32, #tpu.memory_space<vmem>>
        %dma_start3A_197 = tpu.memref_squeeze %dma_start3A_196 : memref<1x128x64xf32, #tpu.memory_space<vmem>> -> memref<128x64xf32, #tpu.memory_space<vmem>>
        %dma_start3A_198 = tpu.memref_slice %arg6[%add3A_192] : memref<25600xi32, #tpu.memory_space<vmem>> -> memref<128xi32, #tpu.memory_space<vmem>>
        %dma_start3A_199 = arith.constant 0 : i32
        %dma_start3A_200 = arith.constant 0 : i32
        %dma_start3A_201 = tpu.memref_slice %arg4[%dma_start3A_199, %dma_start3A_200] : memref<1000000x64xf32, #tpu.memory_space<hbm>> -> memref<1000000x64xf32, #tpu.memory_space<hbm>>
        tpu.enqueue_indirect_dma source(%dma_start3A_201 : memref<1000000x64xf32, #tpu.memory_space<hbm>>) target(%dma_start3A_197 : memref<128x64xf32, #tpu.memory_space<vmem>>) offsets(%dma_start3A_198 : memref<128xi32, #tpu.memory_space<vmem>>) semaphore(%arg9 : memref<!tpu.dma_semaphore, #tpu.memory_space<semaphore_mem>>)
        %mul3A_202 = arith.constant 200 : i32
        %mul3A_203 = arith.muli %add3A_188, %mul3A_202 : i32
        %add3A_204 = arith.constant 128 : i32
        %add3A_205 = arith.addi %mul3A_203, %add3A_204 : i32
        %dma_start3A_206 = arith.constant 0 : i32
        %dma_start3A_207 = arith.constant 128 : i32
        %dma_start3A_208 = arith.constant 0 : i32
        %dma_start3A_209 = tpu.memref_slice %arg7[%dma_start3A_206, %dma_start3A_207, %dma_start3A_208] : memref<4x200x64xf32, #tpu.memory_space<vmem>> -> memref<1x72x64xf32, #tpu.memory_space<vmem>>
        %dma_start3A_210 = tpu.memref_squeeze %dma_start3A_209 : memref<1x72x64xf32, #tpu.memory_space<vmem>> -> memref<72x64xf32, #tpu.memory_space<vmem>>
        %dma_start3A_211 = tpu.memref_slice %arg6[%add3A_205] : memref<25600xi32, #tpu.memory_space<vmem>> -> memref<72xi32, #tpu.memory_space<vmem>>
        %dma_start3A_212 = arith.constant 0 : i32
        %dma_start3A_213 = arith.constant 0 : i32
        %dma_start3A_214 = tpu.memref_slice %arg4[%dma_start3A_212, %dma_start3A_213] : memref<1000000x64xf32, #tpu.memory_space<hbm>> -> memref<1000000x64xf32, #tpu.memory_space<hbm>>
        tpu.enqueue_indirect_dma source(%dma_start3A_214 : memref<1000000x64xf32, #tpu.memory_space<hbm>>) target(%dma_start3A_210 : memref<72x64xf32, #tpu.memory_space<vmem>>) offsets(%dma_start3A_211 : memref<72xi32, #tpu.memory_space<vmem>>) semaphore(%arg9 : memref<!tpu.dma_semaphore, #tpu.memory_space<semaphore_mem>>)
      } else {
      }
      %dma_wait3A_105 = arith.constant 1 : i32
      %dma_wait3A_106 = arith.constant 0 : i32
      %dma_wait3A_107 = arith.constant 0 : i32
      %dma_wait3A_108 = tpu.memref_slice %arg7[%dma_wait3A_105, %dma_wait3A_106, %dma_wait3A_107] : memref<4x200x64xf32, #tpu.memory_space<vmem>> -> memref<1x128x64xf32, #tpu.memory_space<vmem>>
      %dma_wait3A_109 = tpu.memref_squeeze %dma_wait3A_108 : memref<1x128x64xf32, #tpu.memory_space<vmem>> -> memref<128x64xf32, #tpu.memory_space<vmem>>
      %dma_wait3A_110 = arith.constant 0 : i32
      %dma_wait3A_111 = tpu.memref_slice %arg6[%dma_wait3A_110] : memref<25600xi32, #tpu.memory_space<vmem>> -> memref<128xi32, #tpu.memory_space<vmem>>
      %dma_wait3A_112 = arith.constant 0 : i32
      %dma_wait3A_113 = arith.constant 0 : i32
      %dma_wait3A_114 = tpu.memref_slice %arg4[%dma_wait3A_112, %dma_wait3A_113] : memref<1000000x64xf32, #tpu.memory_space<hbm>> -> memref<1000000x64xf32, #tpu.memory_space<hbm>>
      tpu.wait_indirect_dma semaphore(%arg10 : memref<!tpu.dma_semaphore, #tpu.memory_space<semaphore_mem>>) src(%dma_wait3A_114 : memref<1000000x64xf32, #tpu.memory_space<hbm>>) dst(%dma_wait3A_109 : memref<128x64xf32, #tpu.memory_space<vmem>>)
      %dma_wait3A_115 = arith.constant 1 : i32
      %dma_wait3A_116 = arith.constant 128 : i32
      %dma_wait3A_117 = arith.constant 0 : i32
      %dma_wait3A_118 = tpu.memref_slice %arg7[%dma_wait3A_115, %dma_wait3A_116, %dma_wait3A_117] : memref<4x200x64xf32, #tpu.memory_space<vmem>> -> memref<1x72x64xf32, #tpu.memory_space<vmem>>
      %dma_wait3A_119 = tpu.memref_squeeze %dma_wait3A_118 : memref<1x72x64xf32, #tpu.memory_space<vmem>> -> memref<72x64xf32, #tpu.memory_space<vmem>>
      %dma_wait3A_120 = arith.constant 128 : i32
      %dma_wait3A_121 = tpu.memref_slice %arg6[%dma_wait3A_120] : memref<25600xi32, #tpu.memory_space<vmem>> -> memref<72xi32, #tpu.memory_space<vmem>>
      %dma_wait3A_122 = arith.constant 0 : i32
      %dma_wait3A_123 = arith.constant 0 : i32
      %dma_wait3A_124 = tpu.memref_slice %arg4[%dma_wait3A_122, %dma_wait3A_123] : memref<1000000x64xf32, #tpu.memory_space<hbm>> -> memref<1000000x64xf32, #tpu.memory_space<hbm>>
      tpu.wait_indirect_dma semaphore(%arg10 : memref<!tpu.dma_semaphore, #tpu.memory_space<semaphore_mem>>) src(%dma_wait3A_124 : memref<1000000x64xf32, #tpu.memory_space<hbm>>) dst(%dma_wait3A_119 : memref<72x64xf32, #tpu.memory_space<vmem>>)
      %add3A_125 = arith.constant 2 : i32
      %add3A_126 = arith.addi %add3A_70, %add3A_125 : i32
      %add3A_127 = arith.constant 3 : i32
      %add3A_128 = arith.addi %add3A_126, %add3A_127 : i32
      %lt3A_129 = arith.constant 128 : i32
      %lt3A_130 = arith.cmpi slt, %add3A_128, %lt3A_129 : i32
      %convert_element_type3A_131 = arith.extui %lt3A_130 : i1 to i32
      %cond3A_132 = arith.constant 0 : i32
      %cond3A_133 = arith.cmpi ne, %convert_element_type3A_131, %cond3A_132 : i32
      scf.if %cond3A_133 {
        %ge3A = arith.constant 1 : i32
        %ge3A_183 = arith.cmpi sge, %add3A_126, %ge3A : i32
        %convert_element_type3A_184 = arith.extui %ge3A_183 : i1 to i32
        %cond3A_185 = arith.constant 0 : i32
        %cond3A_186 = arith.cmpi ne, %convert_element_type3A_184, %cond3A_185 : i32
        scf.if %cond3A_186 {
        } else {
        }
        %add3A_187 = arith.constant 3 : i32
        %add3A_188 = arith.addi %add3A_126, %add3A_187 : i32
        %mul3A_189 = arith.constant 200 : i32
        %mul3A_190 = arith.muli %add3A_188, %mul3A_189 : i32
        %add3A_191 = arith.constant 0 : i32
        %add3A_192 = arith.addi %mul3A_190, %add3A_191 : i32
        %dma_start3A_193 = arith.constant 1 : i32
        %dma_start3A_194 = arith.constant 0 : i32
        %dma_start3A_195 = arith.constant 0 : i32
        %dma_start3A_196 = tpu.memref_slice %arg7[%dma_start3A_193, %dma_start3A_194, %dma_start3A_195] : memref<4x200x64xf32, #tpu.memory_space<vmem>> -> memref<1x128x64xf32, #tpu.memory_space<vmem>>
        %dma_start3A_197 = tpu.memref_squeeze %dma_start3A_196 : memref<1x128x64xf32, #tpu.memory_space<vmem>> -> memref<128x64xf32, #tpu.memory_space<vmem>>
        %dma_start3A_198 = tpu.memref_slice %arg6[%add3A_192] : memref<25600xi32, #tpu.memory_space<vmem>> -> memref<128xi32, #tpu.memory_space<vmem>>
        %dma_start3A_199 = arith.constant 0 : i32
        %dma_start3A_200 = arith.constant 0 : i32
        %dma_start3A_201 = tpu.memref_slice %arg4[%dma_start3A_199, %dma_start3A_200] : memref<1000000x64xf32, #tpu.memory_space<hbm>> -> memref<1000000x64xf32, #tpu.memory_space<hbm>>
        tpu.enqueue_indirect_dma source(%dma_start3A_201 : memref<1000000x64xf32, #tpu.memory_space<hbm>>) target(%dma_start3A_197 : memref<128x64xf32, #tpu.memory_space<vmem>>) offsets(%dma_start3A_198 : memref<128xi32, #tpu.memory_space<vmem>>) semaphore(%arg10 : memref<!tpu.dma_semaphore, #tpu.memory_space<semaphore_mem>>)
        %mul3A_202 = arith.constant 200 : i32
        %mul3A_203 = arith.muli %add3A_188, %mul3A_202 : i32
        %add3A_204 = arith.constant 128 : i32
        %add3A_205 = arith.addi %mul3A_203, %add3A_204 : i32
        %dma_start3A_206 = arith.constant 1 : i32
        %dma_start3A_207 = arith.constant 128 : i32
        %dma_start3A_208 = arith.constant 0 : i32
        %dma_start3A_209 = tpu.memref_slice %arg7[%dma_start3A_206, %dma_start3A_207, %dma_start3A_208] : memref<4x200x64xf32, #tpu.memory_space<vmem>> -> memref<1x72x64xf32, #tpu.memory_space<vmem>>
        %dma_start3A_210 = tpu.memref_squeeze %dma_start3A_209 : memref<1x72x64xf32, #tpu.memory_space<vmem>> -> memref<72x64xf32, #tpu.memory_space<vmem>>
        %dma_start3A_211 = tpu.memref_slice %arg6[%add3A_205] : memref<25600xi32, #tpu.memory_space<vmem>> -> memref<72xi32, #tpu.memory_space<vmem>>
        %dma_start3A_212 = arith.constant 0 : i32
        %dma_start3A_213 = arith.constant 0 : i32
        %dma_start3A_214 = tpu.memref_slice %arg4[%dma_start3A_212, %dma_start3A_213] : memref<1000000x64xf32, #tpu.memory_space<hbm>> -> memref<1000000x64xf32, #tpu.memory_space<hbm>>
        tpu.enqueue_indirect_dma source(%dma_start3A_214 : memref<1000000x64xf32, #tpu.memory_space<hbm>>) target(%dma_start3A_210 : memref<72x64xf32, #tpu.memory_space<vmem>>) offsets(%dma_start3A_211 : memref<72xi32, #tpu.memory_space<vmem>>) semaphore(%arg10 : memref<!tpu.dma_semaphore, #tpu.memory_space<semaphore_mem>>)
      } else {
      }
      %dma_wait3A_134 = arith.constant 2 : i32
      %dma_wait3A_135 = arith.constant 0 : i32
      %dma_wait3A_136 = arith.constant 0 : i32
      %dma_wait3A_137 = tpu.memref_slice %arg7[%dma_wait3A_134, %dma_wait3A_135, %dma_wait3A_136] : memref<4x200x64xf32, #tpu.memory_space<vmem>> -> memref<1x128x64xf32, #tpu.memory_space<vmem>>
      %dma_wait3A_138 = tpu.memref_squeeze %dma_wait3A_137 : memref<1x128x64xf32, #tpu.memory_space<vmem>> -> memref<128x64xf32, #tpu.memory_space<vmem>>
      %dma_wait3A_139 = arith.constant 0 : i32
      %dma_wait3A_140 = tpu.memref_slice %arg6[%dma_wait3A_139] : memref<25600xi32, #tpu.memory_space<vmem>> -> memref<128xi32, #tpu.memory_space<vmem>>
      %dma_wait3A_141 = arith.constant 0 : i32
      %dma_wait3A_142 = arith.constant 0 : i32
      %dma_wait3A_143 = tpu.memref_slice %arg4[%dma_wait3A_141, %dma_wait3A_142] : memref<1000000x64xf32, #tpu.memory_space<hbm>> -> memref<1000000x64xf32, #tpu.memory_space<hbm>>
      tpu.wait_indirect_dma semaphore(%arg11 : memref<!tpu.dma_semaphore, #tpu.memory_space<semaphore_mem>>) src(%dma_wait3A_143 : memref<1000000x64xf32, #tpu.memory_space<hbm>>) dst(%dma_wait3A_138 : memref<128x64xf32, #tpu.memory_space<vmem>>)
      %dma_wait3A_144 = arith.constant 2 : i32
      %dma_wait3A_145 = arith.constant 128 : i32
      %dma_wait3A_146 = arith.constant 0 : i32
      %dma_wait3A_147 = tpu.memref_slice %arg7[%dma_wait3A_144, %dma_wait3A_145, %dma_wait3A_146] : memref<4x200x64xf32, #tpu.memory_space<vmem>> -> memref<1x72x64xf32, #tpu.memory_space<vmem>>
      %dma_wait3A_148 = tpu.memref_squeeze %dma_wait3A_147 : memref<1x72x64xf32, #tpu.memory_space<vmem>> -> memref<72x64xf32, #tpu.memory_space<vmem>>
      %dma_wait3A_149 = arith.constant 128 : i32
      %dma_wait3A_150 = tpu.memref_slice %arg6[%dma_wait3A_149] : memref<25600xi32, #tpu.memory_space<vmem>> -> memref<72xi32, #tpu.memory_space<vmem>>
      %dma_wait3A_151 = arith.constant 0 : i32
      %dma_wait3A_152 = arith.constant 0 : i32
      %dma_wait3A_153 = tpu.memref_slice %arg4[%dma_wait3A_151, %dma_wait3A_152] : memref<1000000x64xf32, #tpu.memory_space<hbm>> -> memref<1000000x64xf32, #tpu.memory_space<hbm>>
      tpu.wait_indirect_dma semaphore(%arg11 : memref<!tpu.dma_semaphore, #tpu.memory_space<semaphore_mem>>) src(%dma_wait3A_153 : memref<1000000x64xf32, #tpu.memory_space<hbm>>) dst(%dma_wait3A_148 : memref<72x64xf32, #tpu.memory_space<vmem>>)
      %add3A_154 = arith.constant 3 : i32
      %add3A_155 = arith.addi %add3A_70, %add3A_154 : i32
      %add3A_156 = arith.constant 3 : i32
      %add3A_157 = arith.addi %add3A_155, %add3A_156 : i32
      %lt3A_158 = arith.constant 128 : i32
      %lt3A_159 = arith.cmpi slt, %add3A_157, %lt3A_158 : i32
      %convert_element_type3A_160 = arith.extui %lt3A_159 : i1 to i32
      %cond3A_161 = arith.constant 0 : i32
      %cond3A_162 = arith.cmpi ne, %convert_element_type3A_160, %cond3A_161 : i32
      scf.if %cond3A_162 {
        %ge3A = arith.constant 1 : i32
        %ge3A_183 = arith.cmpi sge, %add3A_155, %ge3A : i32
        %convert_element_type3A_184 = arith.extui %ge3A_183 : i1 to i32
        %cond3A_185 = arith.constant 0 : i32
        %cond3A_186 = arith.cmpi ne, %convert_element_type3A_184, %cond3A_185 : i32
        scf.if %cond3A_186 {
        } else {
        }
        %add3A_187 = arith.constant 3 : i32
        %add3A_188 = arith.addi %add3A_155, %add3A_187 : i32
        %mul3A_189 = arith.constant 200 : i32
        %mul3A_190 = arith.muli %add3A_188, %mul3A_189 : i32
        %add3A_191 = arith.constant 0 : i32
        %add3A_192 = arith.addi %mul3A_190, %add3A_191 : i32
        %dma_start3A_193 = arith.constant 2 : i32
        %dma_start3A_194 = arith.constant 0 : i32
        %dma_start3A_195 = arith.constant 0 : i32
        %dma_start3A_196 = tpu.memref_slice %arg7[%dma_start3A_193, %dma_start3A_194, %dma_start3A_195] : memref<4x200x64xf32, #tpu.memory_space<vmem>> -> memref<1x128x64xf32, #tpu.memory_space<vmem>>
        %dma_start3A_197 = tpu.memref_squeeze %dma_start3A_196 : memref<1x128x64xf32, #tpu.memory_space<vmem>> -> memref<128x64xf32, #tpu.memory_space<vmem>>
        %dma_start3A_198 = tpu.memref_slice %arg6[%add3A_192] : memref<25600xi32, #tpu.memory_space<vmem>> -> memref<128xi32, #tpu.memory_space<vmem>>
        %dma_start3A_199 = arith.constant 0 : i32
        %dma_start3A_200 = arith.constant 0 : i32
        %dma_start3A_201 = tpu.memref_slice %arg4[%dma_start3A_199, %dma_start3A_200] : memref<1000000x64xf32, #tpu.memory_space<hbm>> -> memref<1000000x64xf32, #tpu.memory_space<hbm>>
        tpu.enqueue_indirect_dma source(%dma_start3A_201 : memref<1000000x64xf32, #tpu.memory_space<hbm>>) target(%dma_start3A_197 : memref<128x64xf32, #tpu.memory_space<vmem>>) offsets(%dma_start3A_198 : memref<128xi32, #tpu.memory_space<vmem>>) semaphore(%arg11 : memref<!tpu.dma_semaphore, #tpu.memory_space<semaphore_mem>>)
        %mul3A_202 = arith.constant 200 : i32
        %mul3A_203 = arith.muli %add3A_188, %mul3A_202 : i32
        %add3A_204 = arith.constant 128 : i32
        %add3A_205 = arith.addi %mul3A_203, %add3A_204 : i32
        %dma_start3A_206 = arith.constant 2 : i32
        %dma_start3A_207 = arith.constant 128 : i32
        %dma_start3A_208 = arith.constant 0 : i32
        %dma_start3A_209 = tpu.memref_slice %arg7[%dma_start3A_206, %dma_start3A_207, %dma_start3A_208] : memref<4x200x64xf32, #tpu.memory_space<vmem>> -> memref<1x72x64xf32, #tpu.memory_space<vmem>>
        %dma_start3A_210 = tpu.memref_squeeze %dma_start3A_209 : memref<1x72x64xf32, #tpu.memory_space<vmem>> -> memref<72x64xf32, #tpu.memory_space<vmem>>
        %dma_start3A_211 = tpu.memref_slice %arg6[%add3A_205] : memref<25600xi32, #tpu.memory_space<vmem>> -> memref<72xi32, #tpu.memory_space<vmem>>
        %dma_start3A_212 = arith.constant 0 : i32
        %dma_start3A_213 = arith.constant 0 : i32
        %dma_start3A_214 = tpu.memref_slice %arg4[%dma_start3A_212, %dma_start3A_213] : memref<1000000x64xf32, #tpu.memory_space<hbm>> -> memref<1000000x64xf32, #tpu.memory_space<hbm>>
        tpu.enqueue_indirect_dma source(%dma_start3A_214 : memref<1000000x64xf32, #tpu.memory_space<hbm>>) target(%dma_start3A_210 : memref<72x64xf32, #tpu.memory_space<vmem>>) offsets(%dma_start3A_211 : memref<72xi32, #tpu.memory_space<vmem>>) semaphore(%arg11 : memref<!tpu.dma_semaphore, #tpu.memory_space<semaphore_mem>>)
      } else {
      }
      %dma_wait3A_163 = arith.constant 3 : i32
      %dma_wait3A_164 = arith.constant 0 : i32
      %dma_wait3A_165 = arith.constant 0 : i32
      %dma_wait3A_166 = tpu.memref_slice %arg7[%dma_wait3A_163, %dma_wait3A_164, %dma_wait3A_165] : memref<4x200x64xf32, #tpu.memory_space<vmem>> -> memref<1x128x64xf32, #tpu.memory_space<vmem>>
      %dma_wait3A_167 = tpu.memref_squeeze %dma_wait3A_166 : memref<1x128x64xf32, #tpu.memory_space<vmem>> -> memref<128x64xf32, #tpu.memory_space<vmem>>
      %dma_wait3A_168 = arith.constant 0 : i32
      %dma_wait3A_169 = tpu.memref_slice %arg6[%dma_wait3A_168] : memref<25600xi32, #tpu.memory_space<vmem>> -> memref<128xi32, #tpu.memory_space<vmem>>
      %dma_wait3A_170 = arith.constant 0 : i32
      %dma_wait3A_171 = arith.constant 0 : i32
      %dma_wait3A_172 = tpu.memref_slice %arg4[%dma_wait3A_170, %dma_wait3A_171] : memref<1000000x64xf32, #tpu.memory_space<hbm>> -> memref<1000000x64xf32, #tpu.memory_space<hbm>>
      tpu.wait_indirect_dma semaphore(%arg12 : memref<!tpu.dma_semaphore, #tpu.memory_space<semaphore_mem>>) src(%dma_wait3A_172 : memref<1000000x64xf32, #tpu.memory_space<hbm>>) dst(%dma_wait3A_167 : memref<128x64xf32, #tpu.memory_space<vmem>>)
      %dma_wait3A_173 = arith.constant 3 : i32
      %dma_wait3A_174 = arith.constant 128 : i32
      %dma_wait3A_175 = arith.constant 0 : i32
      %dma_wait3A_176 = tpu.memref_slice %arg7[%dma_wait3A_173, %dma_wait3A_174, %dma_wait3A_175] : memref<4x200x64xf32, #tpu.memory_space<vmem>> -> memref<1x72x64xf32, #tpu.memory_space<vmem>>
      %dma_wait3A_177 = tpu.memref_squeeze %dma_wait3A_176 : memref<1x72x64xf32, #tpu.memory_space<vmem>> -> memref<72x64xf32, #tpu.memory_space<vmem>>
      %dma_wait3A_178 = arith.constant 128 : i32
      %dma_wait3A_179 = tpu.memref_slice %arg6[%dma_wait3A_178] : memref<25600xi32, #tpu.memory_space<vmem>> -> memref<72xi32, #tpu.memory_space<vmem>>
      %dma_wait3A_180 = arith.constant 0 : i32
      %dma_wait3A_181 = arith.constant 0 : i32
      %dma_wait3A_182 = tpu.memref_slice %arg4[%dma_wait3A_180, %dma_wait3A_181] : memref<1000000x64xf32, #tpu.memory_space<hbm>> -> memref<1000000x64xf32, #tpu.memory_space<hbm>>
      tpu.wait_indirect_dma semaphore(%arg12 : memref<!tpu.dma_semaphore, #tpu.memory_space<semaphore_mem>>) src(%dma_wait3A_182 : memref<1000000x64xf32, #tpu.memory_space<hbm>>) dst(%dma_wait3A_177 : memref<72x64xf32, #tpu.memory_space<vmem>>)
    }
    %scan3A_65 = arith.constant 32 : i32
    return
  }
}

</mosaic_0001>

<sc_bundles>
// kernel: kernel.3.cloned.1.call-start
scs
__scs_entry_jumppad:
0x0: {  	(pc) =	sbr.rel $0x88, $3  }
0x1: {  	(tag) =	ssettag $0x0;
	lr =	simm.s32 $0x1  }
0x2: {  	[smem:$0x3F9F] =	sst lr;
	_ =	strace $0xD0000000  }
0x3: {  	_ = 	snop  }
0x4: {  	_ = 	snop  }
0x5: {  	_ = 	snop  }
0x6: {  	_ = 	snop  }
0x7: {  	_ = 	snop  }
__scs_overlays_trampoline_lowered:
0x8: {  	[smem:$0x3FAE] =	sst s0  }
0x9: {  	[smem:$0x3FAF] =	sst s1  }
0xa: {  	[smem:$0x3FB0] =	sst s2  }
0xb: {  	[smem:$0x3FB1] =	sst s3  }
0xc: {  	[smem:$0x3FB2] =	sst s4  }
0xd: {  	[smem:$0x3FB3] =	sst s5  }
0xe: {  	[smem:$0x3FB4] =	sst s6  }
0xf: {  	[smem:$0x3FB5] =	sst s7  }
0x10: {  	[smem:$0x3FB6] =	sst s8  }
0x11: {  	[smem:$0x3FB7] =	sst s9;
	s0 =	simm.s32 @!p0 $0x0  }
0x12: {  	s1 =	sld [smem:$0x3F9D];
	s0 =	simm.s32 @p0 $0x1  }
0x13: {  	[smem:$0x3FB8] =	sst s0;
	s0 =	simm.s32 @!p1 $0x0  }
0x14: {  	s2 =	sld [smem:$0x3F9C];
	s0 =	simm.s32 @p1 $0x1  }
0x15: {  	[smem:$0x3FB9] =	sst s0;
	s0 =	simm.s32 @!p2 $0x0  }
0x16: {  	s3 =	sld [smem:$0x3FDB];
	s0 =	simm.s32 @p2 $0x1  }
0x17: {  	s4 =	simm.s32 $0x1BF5;
	[smem:$0x3FBB] =	sst s0  }
0x18: {  	s0 =	sld [smem:$0x3F9E];
	_ =	swait.ge [sflag:s4], $0x0  }
0x19: {  	s7 =	sld [smem:$0x3F9F]  }
0x1a: {  	s8 =	sadd.s32 $0xFFFFE003, lr  }
0x1b: {  	s9 =	sadd.s32 $0xFFFFFEF7, lr;
	s5 =	simm.s32 $0xFFFFFFFF;
	p2 =	slt.u32 s8, $0xFFFFF086  }
0x1c: {  	p1 =	slt.u32 s9, $0xF7A;
	s5 =	simm.s32 @!p2 $0x0  }
0x1d: {  	s5 =	simm.s32 @p1 $0x1;
	p0 =	seq.s32 s7, s2  }
0x1e: {  	s7 =	smul.u32 @!p0 $0xF7A, s2;
	p2 =	seq.s32 @!p0 s5, $0x0  }
0x1f: {  	s9 =	smul.u32 $0xF7A, s1;
	s8 =	simm.s32 @!p0 $0x1BF5;
	p2 =	por !p2, p0  }
0x20: {  	[sflag:s8] =	ssyncset.s32 @!p0 $0xFFFFF086;
	s6 =	sadd.s32 @!p0 s3, s7;
	s7 =	simm.s32 @!p0 $0x108  }
0x21: {  	s3 =	sadd.s32 s3, s9;
	s6 =	sadd.s32 @!p0 $0x88, s6;
	s7 =	simm.s32 @p2 $0x1082  }
0x22: {  	[simem:s7], [sflag:s8] =	dma.local @!p0 [hbm:s6], $0xF7A  }
0x23: {  	s9 =	sor.u32 $0xD0000000, s2;
	s6 =	simm.s32 $0x108;
	_ =	swait.ge @!p0 [sflag:s8], $0x0  }
0x24: {  	s3 =	sadd.s32 $0x88, s3;
	s6 =	simm.s32 @!p1 $0x1082;
	[sflag:s4] =	ssyncset.s32 $0xFFFFF086  }
0x25: {  	[simem:s6], [sflag:s4] =	dma.local [hbm:s3], $0xF7A  }
0x26: {  	[smem:$0x3F9F] =	sst s1;
	(tag) =	ssettag s2;
	_ =	strace s9  }
0x27: {  	s1 =	sld [smem:$0x3FAF]  }
0x28: {  	s2 =	sld [smem:$0x3FB0]  }
0x29: {  	s4 =	sld [smem:$0x3FB2]  }
0x2a: {  	p0 =	seq.s32 s5, $0x0;
	s5 =	sld [smem:$0x3FB3]  }
0x2b: {  	s6 =	sld [smem:$0x3FB4]  }
0x2c: {  	s7 =	sld [smem:$0x3FB5]  }
0x2d: {  	s3 =	simm.s32 $0x108;
	s8 =	sld [smem:$0x3FB6]  }
0x2e: {  	s3 =	simm.s32 @!p0 $0x1082;
	s9 =	sld [smem:$0x3FB7]  }
0x2f: {  	lr =	sadd.s32 s0, s3;
	s0 =	sld [smem:$0x3FAE]  }
0x30: {  	s3 =	sld [smem:$0x3FB1]  }
0x31: {  	[smem:$0x3FBA] =	sst s10  }
0x32: {  	s10 =	sld [smem:$0x3FB8];
	_ =	sdelay $0x3  }
0x33: {  	p0 =	seq.s32 s10, $0x1;
	s10 =	sld [smem:$0x3FBA];
	_ =	sdelay $0x3  }
0x34: {  	[smem:$0x3FBA] =	sst s10  }
0x35: {  	s10 =	sld [smem:$0x3FB9];
	_ =	sdelay $0x3  }
0x36: {  	p1 =	seq.s32 s10, $0x1;
	s10 =	sld [smem:$0x3FBA];
	_ =	sdelay $0x3  }
0x37: {  	[smem:$0x3FBA] =	sst s10  }
0x38: {  	s10 =	sld [smem:$0x3FBB]  }
0x39: {  	_ = 	snop;
	(pc) =	sbr.ind lr, $3  }
0x3a: {  	_ = 	snop  }
0x3b: {  	_ = 	snop  }
0x3c: {  	p2 =	seq.s32 s10, $0x1;
	s10 =	sld [smem:$0x3FBA]  }
0x3d: {  	_ =	shalt  }
0x3e: {  	_ =	shalt  }
0x3f: {  	_ =	shalt  }
0x40: {  	_ =	shalt  }
0x41: {  	_ =	shalt  }
0x42: {  	_ =	shalt  }
0x43: {  	_ =	shalt  }
0x44: {  	_ =	shalt  }
0x45: {  	_ =	shalt  }
0x46: {  	_ =	shalt  }
0x47: {  	_ =	shalt  }
0x48: {  	_ =	shalt  }
0x49: {  	_ =	shalt  }
0x4a: {  	_ =	shalt  }
0x4b: {  	_ =	shalt  }
0x4c: {  	_ =	shalt  }
0x4d: {  	_ =	shalt  }
0x4e: {  	_ =	shalt  }
0x4f: {  	_ =	shalt  }
0x50: {  	_ =	shalt  }
0x51: {  	_ =	shalt  }
0x52: {  	_ =	shalt  }
0x53: {  	_ =	shalt  }
0x54: {  	_ =	shalt  }
0x55: {  	_ =	shalt  }
0x56: {  	_ =	shalt  }
0x57: {  	_ =	shalt  }
0x58: {  	_ =	shalt  }
0x59: {  	_ =	shalt  }
0x5a: {  	_ =	shalt  }
0x5b: {  	_ =	shalt  }
0x5c: {  	_ =	shalt  }
0x5d: {  	_ =	shalt  }
0x5e: {  	_ =	shalt  }
0x5f: {  	_ =	shalt  }
0x60: {  	_ =	shalt  }
0x61: {  	_ =	shalt  }
0x62: {  	_ =	shalt  }
0x63: {  	_ =	shalt  }
0x64: {  	_ =	shalt  }
0x65: {  	_ =	shalt  }
0x66: {  	_ =	shalt  }
0x67: {  	_ =	shalt  }
0x68: {  	_ =	shalt  }
0x69: {  	_ =	shalt  }
0x6a: {  	_ =	shalt  }
0x6b: {  	_ =	shalt  }
0x6c: {  	_ =	shalt  }
0x6d: {  	_ =	shalt  }
0x6e: {  	_ =	shalt  }
0x6f: {  	_ =	shalt  }
0x70: {  	_ =	shalt  }
0x71: {  	_ =	shalt  }
0x72: {  	_ =	shalt  }
0x73: {  	_ =	shalt  }
0x74: {  	_ =	shalt  }
0x75: {  	_ =	shalt  }
0x76: {  	_ =	shalt  }
0x77: {  	_ =	shalt  }
0x78: {  	_ =	shalt  }
0x79: {  	_ =	shalt  }
0x7a: {  	_ =	shalt  }
0x7b: {  	_ =	shalt  }
0x7c: {  	_ =	shalt  }
0x7d: {  	_ =	shalt  }
0x7e: {  	_ =	shalt  }
0x7f: {  	_ =	shalt  }
0x80: {  	_ =	shalt  }
0x81: {  	_ =	shalt  }
0x82: {  	_ =	shalt  }
0x83: {  	_ =	shalt  }
0x84: {  	_ =	shalt  }
0x85: {  	_ =	shalt  }
0x86: {  	_ =	shalt  }
0x87: {  	_ =	shalt  }
.Lfunc_end0:
.L_simem_size_0:
called_computation.1_lowered:
.L_overlay_start_0:
0x88: {  	s2 =	sld [smem:$0x3FD9]  }
0x89: {  	s3 =	sld [smem:$0x3FFE];
	_ =	sdelay $0x1  }
0x8a: {  	s1 =	srdreg.scid  }
0x8b: {  	s0 =	sand.u32 $0x1, s1  }
0x8c: {  	s16 =	sshll.u32 s0, $0xA;
	s2 =	sadd.s32 s3, s2  }
0x8d: {  	s2 =	sadd.s32 s2, s16  }
0x8e: {  	[smem:$0x3FC6] =	sst s2  }
0x8f: {  	_ = 	snop  }
0x90: {  	(tm) =	ssettm $0x1  }
0x91: {  	s17 =	sld [smem:$0x3FFB];
	_ =	sdelay $0x3  }
0x92: {  	_ =	strace s17  }
0x93: {  	s2 =	sld [smem:$0x3FFC];
	_ =	sdelay $0x3  }
0x94: {  	_ =	strace s2  }
0x95: {  	s2 =	sld [smem:$0x3FFD];
	_ =	sdelay $0x3  }
0x96: {  	_ =	strace s2  }
0x97: {  	_ =	strace $0x8FFFFFFF  }
0x98: {  	s18 =	sld [smem:$0x3FDB];
	_ =	sdelay $0x1  }
0x99: {  	s19 =	simm.s32 $_scs_section_size  }
0x9a: {  	s4 =	simm.s32 $_size__tile_overlayer_lowered;
	s5 =	simm.s32 $_tile_overlayer_lowered  }
0x9b: {  	s22 =	simm.s32 $0x1BFF;
	s21 =	sshll.u32 s5, $0x1;
	s2 =	sadd.s32 s19, s18  }
0x9c: {  	s6 =	simm.s32 $0x0;
	s20 =	sshll.u32 s4, $0x1;
	s4 =	sadd.s32 s21, s2  }
0x9d: {  	[timem:s6], [sflag:s22] =	dma.local [hbm:s4], s20  }
0x9e: {  	_ =	swait.ge [sflag:s22], s20  }
0x9f: {  	s3 =	ssub.s32 $0x0, s20;
	[sflag:s22] =	ssyncset.done $0x0  }
0xa0: {  	[sflag:s22] =	ssyncadd.s32 s3;
	_ =	sdelay $0x1  }
0xa1: {  	s23 =	simm.s32 $0x1B8B  }
0xa2: {  	_ =	swait.ge [sflag:s23], $0x1  }
0xa3: {  	[sflag:s23] =	ssyncset.done $0x0  }
0xa4: {  	s25 =	simm.s32 $0x1B8E;
	s24 =	sld [smem:$0x3FFE];
	[sflag:s23] =	ssyncadd.s32 $0xFFFFFFFF  }
0xa5: {  	s26 =	simm.s32 $execute0_lowered;
	[smem:$0x3FD2] =	sst s25  }
0xa6: {  	s4 =	sshll.u32 s26, $0x1;
	_ =	strace $0x80000046;
	[dreg:$0x1] =	wrdreg $0xFFFFFFFF  }
0xa7: {  	s28 =	simm.s32 $_size_execute0_lowered;
	s2 =	sadd.s32 s2, s4;
	[dreg:$0x0] =	wrdreg $0x0  }
0xa8: {  	s4 =	sshll.u32 s28, $0x1;
	[dreg:$0x2] =	wrdreg s2  }
0xa9: {  	[dreg:$0x3] =	wrdreg s4  }
0xaa: {  	[dreg:$0x4] =	wrdreg $0xC0  }
0xab: {  	_ =	task [dreg:s6], $0x5FFFF  }
0xac: {  	[dreg:$0x1] =	wrdreg $0xFFFFFFFF  }
0xad: {  	[dreg:$0x0] =	wrdreg $0x60  }
0xae: {  	[dreg:$0x2] =	wrdreg s24  }
0xaf: {  	[dreg:$0x3] =	wrdreg $0x9  }
0xb0: {  	_ =	task.clear_ibuf [dreg:s6], $0x4FFFF;
	_ =	strace $0x90000046  }
0xb1: {  	s29 =	simm.s32 $0x9;
	_ =	strace $0x80000048  }
0xb2: {  	_ =	swait.ge [sflag:s29], $0x1  }
0xb3: {  	[sflag:s29] =	ssyncadd.s32 $0xFFFFFFFF  }
0xb4: {  	_ =	strace $0x90000048  }
0xb5: {  	_ =	sfence  }
0xb6: {  	s30 =	sld [smem:$0x0];
	_ =	sdelay $0x2  }
0xb7: {  	s31 =	sshll.u32 s1, $0xD;
	s1 =	sshrl.u32 s1, $0x2  }
0xb8: {  	s3 =	sand.u32 $0x4000, s31;
	s1 =	sadd.s32 s1, s30  }
0xb9: {  	s0 =	sor.u32 s3, s0;
	s1 =	sshll.u32 s1, $0x11  }
0xba: {  	s0 =	sor.u32 s1, s0  }
0xbb: {  	s0 =	sadd.s32 $0x8F2B, s0  }
0xbc: {  	[sflag:s0] =	ssyncadd.remote.s32 $0x1  }
0xbd: {  	_ =	sfence.sel $0xFFFF  }
0xbe: {  	[dreg:$0x0] =	wrdreg $0xFFFFFFFF;
	(pc) =	sbr.abs _section_cstart, $3  }
0xbf: {  	[dreg:$0x1] =	wrdreg $0xFFFFFFFF  }
0xc0: {  	_ =	task.clear_ibuf [dreg:s6], $0x2FFFF;
	_ =	strace $0x9FFFFFFF  }
0xc1: {  	(tm) =	ssettm $0x7FFFFFFF  }
tec
execute0_lowered:
.L_overlay_start_1:
0x0: {  	(tag) =	ssettag $0x1  }
0x1: {  	s0 =	srdreg.scid  }
0x2: {  	s2 =	stileid.u32;
	s1 =	rddreg [dreg:$0x0]  }
0x3: {  	s7 =	simm.s32 $0x5;
	s9 =	simm.s32 $0x80;
	s10 =	simm.s32 $0x6400  }
0x4: {  	s11 =	simm.s32 $0x48;
	s12 =	simm.s32 $0x8400;
	s14 =	simm.s32 $0x9600  }
0x5: {  	s15 =	simm.s32 $0x148;
	s16 =	simm.s32 $0xB600;
	s17 =	simm.s32 $0x190  }
0x6: {  	s18 =	simm.s32 $0xC800;
	s19 =	simm.s32 $0x210;
	s20 =	simm.s32 $0xE800  }
0x7: {  	s21 =	simm.s32 $0xFA00;
	s22 =	simm.s32 $0x11A00;
	s23 =	simm.s32 $0x1  }
0x8: {  	s24 =	simm.s32 $0x2;
	s25 =	simm.s32 $0x3;
	s26 =	simm.s32 $0x4  }
0x9: {  	s28 =	simm.s32 $0x6338;
	s0 =	sand.u32 $0x1, s0;
	s3 =	sshll.u32 s2, $0x1  }
0xa: {  	s29 =	simm.s32 $0x63B8;
	s30 =	simm.s32 $0x0;
	s3 =	sor.u32 s0, s3  }
0xb: {  	s2 =	simm.s32 $0x0;
	s0 =	ssub.s32 $0x2, s0;
	s3 =	smul.u32 $0xC80, s3  }
0xc: {  	s4 =	sadd.s32 $0xF43000, s1;
	[smem:$0x7FF] =	sst s2;
	s6 =	sshrl.u32 s0, $0x1  }
0xd: {  	_ =	strace $0x80000047;
	s0 =	ssub.s32 s0, s6;
	s5 =	sadd.s32 s3, s1  }
0xe: {  	s3 =	sadd.s32 $0x19C00, s1;
	s6 =	smax.u32 s0, $0x1;
	s5 =	sadd.s32 $0xC00, s5  }
.LBB2_1:
0xf: {  	[tilespmem:s2], [sflag:$0x5] =	stream.linear.gather [hbm4b:s5+s2], $0x6400, $0x38;
	[tilespmem:$0x15E00] =	vst v63  }
0x10: {  	_ =	swait.ge [sflag:s7], $0x6400  }
0x11: {  	[sflag:s7] =	ssyncset.done $0x0  }
0x12: {  	s0 =	simm.s32 $0x12C00;
	[sflag:s7] =	ssyncadd.s32 $0xFFFF9C00  }
0x13: {  	[tilespmem:s0], [sflag:$0x5] =	stream.linear.gather [hbm4b:s3+s2], $0x3200, $0x38;
	[tilespmem:$0x15E00] =	vst v63  }
0x14: {  	_ =	swait.ge [sflag:s7], $0x3200  }
0x15: {  	[sflag:s7] =	ssyncset.done $0x0  }
0x16: {  	[sflag:s7] =	ssyncadd.s32 $0xFFFFCE00  }
0x17: {  	[tilespmem:s10], [sflag:$0x1] =	stream.indirect.gather [hbm4b:s4+s9], $0x40, s2, s9, $0xb8;
	[tilespmem:$0x15E00] =	vst v63  }
0x18: {  	_ = 	snop  }
0x19: {  	[tilespmem:s12], [sflag:$0x1] =	stream.indirect.gather [hbm4b:s4+s11], $0x40, s9, s11, $0xb8;
	[tilespmem:$0x15E00] =	vst v63  }
0x1a: {  	s1 =	simm.s32 $0xC8  }
0x1b: {  	[tilespmem:s14], [sflag:$0x2] =	stream.indirect.gather [hbm4b:s4+s9], $0x40, s1, s9, $0xb8;
	[tilespmem:$0x15E00] =	vst v63  }
0x1c: {  	_ = 	snop  }
0x1d: {  	[tilespmem:s16], [sflag:$0x2] =	stream.indirect.gather [hbm4b:s4+s11], $0x40, s15, s11, $0xb8;
	[tilespmem:$0x15E00] =	vst v63  }
0x1e: {  	_ = 	snop  }
0x1f: {  	[tilespmem:s18], [sflag:$0x3] =	stream.indirect.gather [hbm4b:s4+s9], $0x40, s17, s9, $0xb8;
	[tilespmem:$0x15E00] =	vst v63  }
0x20: {  	_ = 	snop  }
0x21: {  	[tilespmem:s20], [sflag:$0x3] =	stream.indirect.gather [hbm4b:s4+s11], $0x40, s19, s11, $0xb8;
	[tilespmem:$0x15E00] =	vst v63  }
0x22: {  	s8 =	simm.s32 $0x258  }
0x23: {  	[tilespmem:s21], [sflag:$0x4] =	stream.indirect.gather [hbm4b:s4+s9], $0x40, s8, s9, $0xb8;
	[tilespmem:$0x15E00] =	vst v63  }
0x24: {  	s13 =	simm.s32 $0x2D8  }
0x25: {  	[tilespmem:s22], [sflag:$0x4] =	stream.indirect.gather [hbm4b:s4+s11], $0x40, s13, s11, $0xb8;
	[tilespmem:$0x15E00] =	vst v63  }
0x26: {  	_ =	swait.ge [sflag:s23], $0x2000  }
0x27: {  	[sflag:s23] =	ssyncset.done $0x0  }
0x28: {  	[sflag:s23] =	ssyncadd.s32 $0xFFFFE000  }
0x29: {  	_ =	swait.ge [sflag:s23], $0x1200  }
0x2a: {  	[sflag:s23] =	ssyncset.done $0x0  }
0x2b: {  	s1 =	simm.s32 $0x320;
	[sflag:s23] =	ssyncadd.s32 $0xFFFFEE00  }
0x2c: {  	[tilespmem:s10], [sflag:$0x1] =	stream.indirect.gather [hbm4b:s4+s9], $0x40, s1, s9, $0xb8;
	[tilespmem:$0x15E00] =	vst v63  }
0x2d: {  	s8 =	simm.s32 $0x3A0  }
0x2e: {  	[tilespmem:s12], [sflag:$0x1] =	stream.indirect.gather [hbm4b:s4+s11], $0x40, s8, s11, $0xb8;
	[tilespmem:$0x15E00] =	vst v63  }
0x2f: {  	_ =	swait.ge [sflag:s24], $0x2000  }
0x30: {  	[sflag:s24] =	ssyncset.done $0x0  }
0x31: {  	[sflag:s24] =	ssyncadd.s32 $0xFFFFE000  }
0x32: {  	_ =	swait.ge [sflag:s24], $0x1200  }
0x33: {  	[sflag:s24] =	ssyncset.done $0x0  }
0x34: {  	s13 =	simm.s32 $0x3E8;
	[sflag:s24] =	ssyncadd.s32 $0xFFFFEE00  }
0x35: {  	[tilespmem:s14], [sflag:$0x2] =	stream.indirect.gather [hbm4b:s4+s9], $0x40, s13, s9, $0xb8;
	[tilespmem:$0x15E00] =	vst v63  }
0x36: {  	s1 =	simm.s32 $0x468  }
0x37: {  	[tilespmem:s16], [sflag:$0x2] =	stream.indirect.gather [hbm4b:s4+s11], $0x40, s1, s11, $0xb8;
	[tilespmem:$0x15E00] =	vst v63  }
0x38: {  	_ =	swait.ge [sflag:s25], $0x2000  }
0x39: {  	[sflag:s25] =	ssyncset.done $0x0  }
0x3a: {  	[sflag:s25] =	ssyncadd.s32 $0xFFFFE000  }
0x3b: {  	_ =	swait.ge [sflag:s25], $0x1200  }
0x3c: {  	[sflag:s25] =	ssyncset.done $0x0  }
0x3d: {  	s8 =	simm.s32 $0x4B0;
	[sflag:s25] =	ssyncadd.s32 $0xFFFFEE00  }
0x3e: {  	[tilespmem:s18], [sflag:$0x3] =	stream.indirect.gather [hbm4b:s4+s9], $0x40, s8, s9, $0xb8;
	[tilespmem:$0x15E00] =	vst v63  }
0x3f: {  	s13 =	simm.s32 $0x530  }
0x40: {  	[tilespmem:s20], [sflag:$0x3] =	stream.indirect.gather [hbm4b:s4+s11], $0x40, s13, s11, $0xb8;
	[tilespmem:$0x15E00] =	vst v63  }
0x41: {  	_ =	swait.ge [sflag:s26], $0x2000  }
0x42: {  	[sflag:s26] =	ssyncset.done $0x0  }
0x43: {  	[sflag:s26] =	ssyncadd.s32 $0xFFFFE000  }
0x44: {  	_ =	swait.ge [sflag:s26], $0x1200  }
0x45: {  	s31 =	simm.s32 $0x320;
	s1 =	simm.s32 $0x1900;
	[sflag:s26] =	ssyncset.done $0x0  }
.LBB2_2:
0x46: {  	s13 =	sadd.s32 $0x258, s31  }
0x47: {  	[sflag:s26] =	ssyncadd.s32 $0xFFFFEE00;
	s0 =	smov.u32 s1;
	s8 =	sadd.s32 $0xC80, s1  }
0x48: {  	[tilespmem:s21], [sflag:$0x4] =	stream.indirect.gather [hbm4b:s4+s9], $0x40, s13, s9, $0xb8;
	[tilespmem:$0x15E00] =	vst v63  }
0x49: {  	p0 =	sne.s32 s1, $0x17700;
	s1 =	sadd.s32 $0x2D8, s31  }
0x4a: {  	[tilespmem:s22], [sflag:$0x4] =	stream.indirect.gather [hbm4b:s4+s11], $0x40, s1, s11, $0xb8;
	[tilespmem:$0x15E00] =	vst v63  }
0x4b: {  	_ =	swait.ge [sflag:s23], $0x2000  }
0x4c: {  	[sflag:s23] =	ssyncset.done $0x0  }
0x4d: {  	[sflag:s23] =	ssyncadd.s32 $0xFFFFE000  }
0x4e: {  	_ =	swait.ge [sflag:s23], $0x1200  }
0x4f: {  	[sflag:s23] =	ssyncset.done $0x0  }
0x50: {  	s1 =	sadd.s32 $0x320, s31;
	[sflag:s23] =	ssyncadd.s32 $0xFFFFEE00  }
0x51: {  	[tilespmem:s10], [sflag:$0x1] =	stream.indirect.gather [hbm4b:s4+s9], $0x40, s1, s9, $0xb8;
	[tilespmem:$0x15E00] =	vst v63  }
0x52: {  	s1 =	sadd.s32 $0x3A0, s31  }
0x53: {  	[tilespmem:s12], [sflag:$0x1] =	stream.indirect.gather [hbm4b:s4+s11], $0x40, s1, s11, $0xb8;
	[tilespmem:$0x15E00] =	vst v63  }
0x54: {  	_ =	swait.ge [sflag:s24], $0x2000  }
0x55: {  	[sflag:s24] =	ssyncset.done $0x0  }
0x56: {  	[sflag:s24] =	ssyncadd.s32 $0xFFFFE000  }
0x57: {  	_ =	swait.ge [sflag:s24], $0x1200  }
0x58: {  	[sflag:s24] =	ssyncset.done $0x0  }
0x59: {  	s1 =	sadd.s32 $0x3E8, s31;
	[sflag:s24] =	ssyncadd.s32 $0xFFFFEE00  }
0x5a: {  	[tilespmem:s14], [sflag:$0x2] =	stream.indirect.gather [hbm4b:s4+s9], $0x40, s1, s9, $0xb8;
	[tilespmem:$0x15E00] =	vst v63  }
0x5b: {  	s1 =	sadd.s32 $0x468, s31  }
0x5c: {  	[tilespmem:s16], [sflag:$0x2] =	stream.indirect.gather [hbm4b:s4+s11], $0x40, s1, s11, $0xb8;
	[tilespmem:$0x15E00] =	vst v63  }
0x5d: {  	_ =	swait.ge [sflag:s25], $0x2000  }
0x5e: {  	[sflag:s25] =	ssyncset.done $0x0  }
0x5f: {  	[sflag:s25] =	ssyncadd.s32 $0xFFFFE000  }
0x60: {  	_ =	swait.ge [sflag:s25], $0x1200  }
0x61: {  	[sflag:s25] =	ssyncset.done $0x0  }
0x62: {  	s1 =	sadd.s32 $0x4B0, s31;
	[sflag:s25] =	ssyncadd.s32 $0xFFFFEE00  }
0x63: {  	[tilespmem:s18], [sflag:$0x3] =	stream.indirect.gather [hbm4b:s4+s9], $0x40, s1, s9, $0xb8;
	[tilespmem:$0x15E00] =	vst v63  }
0x64: {  	s1 =	sadd.s32 $0x530, s31  }
0x65: {  	[tilespmem:s20], [sflag:$0x3] =	stream.indirect.gather [hbm4b:s4+s11], $0x40, s1, s11, $0xb8;
	[tilespmem:$0x15E00] =	vst v63  }
.Ltmp0:
0x66: {  	_ =	swait.ge [sflag:s26], $0x2000;
	(pc) =	sbr.rel @p0 .LBB2_2-.Ltmp0, $4  }
0x67: {  	[sflag:s26] =	ssyncset.done $0x0  }
0x68: {  	[sflag:s26] =	ssyncadd.s32 $0xFFFFE000  }
0x69: {  	_ =	swait.ge [sflag:s26], $0x1200  }
0x6a: {  	s31 =	sshra.s32 s0, $0x2;
	s1 =	smov.u32 s8;
	[sflag:s26] =	ssyncset.done $0x0  }
0x6b: {  	s0 =	sadd.s32 $0x258, s31;
	[sflag:s26] =	ssyncadd.s32 $0xFFFFEE00  }
0x6c: {  	[tilespmem:s21], [sflag:$0x4] =	stream.indirect.gather [hbm4b:s4+s9], $0x40, s0, s9, $0xb8;
	[tilespmem:$0x15E00] =	vst v63  }
0x6d: {  	s1 =	sadd.s32 $0x2D8, s31  }
0x6e: {  	[tilespmem:s22], [sflag:$0x4] =	stream.indirect.gather [hbm4b:s4+s11], $0x40, s1, s11, $0xb8;
	[tilespmem:$0x15E00] =	vst v63  }
0x6f: {  	_ =	swait.ge [sflag:s23], $0x2000  }
0x70: {  	[sflag:s23] =	ssyncset.done $0x0  }
0x71: {  	[sflag:s23] =	ssyncadd.s32 $0xFFFFE000  }
0x72: {  	_ =	swait.ge [sflag:s23], $0x1200  }
0x73: {  	[sflag:s23] =	ssyncset.done $0x0  }
0x74: {  	s8 =	sadd.s32 $0x320, s31;
	[sflag:s23] =	ssyncadd.s32 $0xFFFFEE00  }
0x75: {  	[tilespmem:s10], [sflag:$0x1] =	stream.indirect.gather [hbm4b:s4+s9], $0x40, s8, s9, $0xb8;
	[tilespmem:$0x15E00] =	vst v63  }
0x76: {  	s13 =	sadd.s32 $0x3A0, s31  }
0x77: {  	[tilespmem:s12], [sflag:$0x1] =	stream.indirect.gather [hbm4b:s4+s11], $0x40, s13, s11, $0xb8;
	[tilespmem:$0x15E00] =	vst v63  }
0x78: {  	_ =	swait.ge [sflag:s24], $0x2000  }
0x79: {  	[sflag:s24] =	ssyncset.done $0x0  }
0x7a: {  	[sflag:s24] =	ssyncadd.s32 $0xFFFFE000  }
0x7b: {  	_ =	swait.ge [sflag:s24], $0x1200  }
0x7c: {  	[sflag:s24] =	ssyncset.done $0x0  }
0x7d: {  	s1 =	sadd.s32 $0x3E8, s31;
	[sflag:s24] =	ssyncadd.s32 $0xFFFFEE00  }
0x7e: {  	[tilespmem:s14], [sflag:$0x2] =	stream.indirect.gather [hbm4b:s4+s9], $0x40, s1, s9, $0xb8;
	[tilespmem:$0x15E00] =	vst v63  }
0x7f: {  	s8 =	sadd.s32 $0x468, s31  }
0x80: {  	[tilespmem:s16], [sflag:$0x2] =	stream.indirect.gather [hbm4b:s4+s11], $0x40, s8, s11, $0xb8;
	[tilespmem:$0x15E00] =	vst v63  }
0x81: {  	_ =	swait.ge [sflag:s25], $0x2000  }
0x82: {  	[sflag:s25] =	ssyncset.done $0x0  }
0x83: {  	[sflag:s25] =	ssyncadd.s32 $0xFFFFE000  }
0x84: {  	_ =	swait.ge [sflag:s25], $0x1200  }
0x85: {  	[sflag:s25] =	ssyncset.done $0x0  }
0x86: {  	s13 =	sadd.s32 $0x4B0, s31;
	[sflag:s25] =	ssyncadd.s32 $0xFFFFEE00  }
0x87: {  	[tilespmem:s18], [sflag:$0x3] =	stream.indirect.gather [hbm4b:s4+s9], $0x40, s13, s9, $0xb8;
	[tilespmem:$0x15E00] =	vst v63  }
0x88: {  	s31 =	sadd.s32 $0x530, s31  }
0x89: {  	[tilespmem:s20], [sflag:$0x3] =	stream.indirect.gather [hbm4b:s4+s11], $0x40, s31, s11, $0xb8;
	[tilespmem:$0x15E00] =	vst v63  }
0x8a: {  	_ =	swait.ge [sflag:s26], $0x2000  }
0x8b: {  	[sflag:s26] =	ssyncset.done $0x0  }
0x8c: {  	[sflag:s26] =	ssyncadd.s32 $0xFFFFE000  }
0x8d: {  	_ =	swait.ge [sflag:s26], $0x1200  }
0x8e: {  	[sflag:s26] =	ssyncset.done $0x0  }
0x8f: {  	[sflag:s26] =	ssyncadd.s32 $0xFFFFEE00  }
0x90: {  	[tilespmem:s21], [sflag:$0x4] =	stream.indirect.gather [hbm4b:s4+s9], $0x40, s28, s9, $0xb8;
	[tilespmem:$0x15E00] =	vst v63  }
0x91: {  	_ = 	snop  }
0x92: {  	[tilespmem:s22], [sflag:$0x4] =	stream.indirect.gather [hbm4b:s4+s11], $0x40, s29, s11, $0xb8;
	[tilespmem:$0x15E00] =	vst v63  }
0x93: {  	_ =	swait.ge [sflag:s23], $0x2000  }
0x94: {  	[sflag:s23] =	ssyncset.done $0x0  }
0x95: {  	[sflag:s23] =	ssyncadd.s32 $0xFFFFE000  }
0x96: {  	_ =	swait.ge [sflag:s23], $0x1200  }
0x97: {  	[sflag:s23] =	ssyncset.done $0x0  }
0x98: {  	[sflag:s23] =	ssyncadd.s32 $0xFFFFEE00  }
0x99: {  	_ =	swait.ge [sflag:s24], $0x2000  }
0x9a: {  	[sflag:s24] =	ssyncset.done $0x0  }
0x9b: {  	[sflag:s24] =	ssyncadd.s32 $0xFFFFE000  }
0x9c: {  	_ =	swait.ge [sflag:s24], $0x1200  }
0x9d: {  	[sflag:s24] =	ssyncset.done $0x0  }
0x9e: {  	[sflag:s24] =	ssyncadd.s32 $0xFFFFEE00  }
0x9f: {  	_ =	swait.ge [sflag:s25], $0x2000  }
0xa0: {  	[sflag:s25] =	ssyncset.done $0x0  }
0xa1: {  	[sflag:s25] =	ssyncadd.s32 $0xFFFFE000  }
0xa2: {  	_ =	swait.ge [sflag:s25], $0x1200  }
0xa3: {  	[sflag:s25] =	ssyncset.done $0x0  }
0xa4: {  	s30 =	sadd.s32 $0x1, s30;
	[sflag:s25] =	ssyncadd.s32 $0xFFFFEE00  }
0xa5: {  	p0 =	sne.s32 s30, s6;
	_ =	swait.ge [sflag:s26], $0x2000  }
.Ltmp1:
0xa6: {  	[sflag:s26] =	ssyncset.done $0x0;
	(pc) =	sbr.rel @p0 .LBB2_1-.Ltmp1, $4  }
0xa7: {  	[sflag:s26] =	ssyncadd.s32 $0xFFFFE000  }
0xa8: {  	_ =	swait.ge [sflag:s26], $0x1200  }
0xa9: {  	[sflag:s26] =	ssyncset.done $0x0  }
0xaa: {  	[sflag:s26] =	ssyncadd.s32 $0xFFFFEE00  }
0xab: {  	_ =	sfence.sel $0x180000  }
0xac: {  	[bflag:$0x0] =	sbarrier.arrive $0xFFFF  }
0xad: {  	_ =	strace $0x90000047  }
0xae: {  	s0 =	stileid.u32;
	[bflag:$0x2] =	sbarrier.arrive $0xFFFF  }
0xaf: {  	p0 =	sne.s32 s0, $0x0;
	s0 =	rddreg [dreg:$0x1]  }
0xb0: {  	s0 =	sadd.s32 @!p0 $0x100000, s0  }
0xb1: {  	[sflag:s0] =	ssyncadd.tile.s32 @!p0 $0x1;
	_ =	shalt  }
.Lfunc_end2:
_tile_overlayer_lowered:
.L_overlay_start_2:
0xb2: {  	(tag) =	ssettag $0x2  }
0xb3: {  	s0 =	rddreg [dreg:$0x0];
	s2 =	stileid.u32  }
0xb4: {  	s1 =	rddreg [dreg:$0x1];
	p0 =	sne.s32 s2, $0x0  }
0xb5: {  	s3 =	rddreg [dreg:$0x2];
	[bflag:$0x3] =	sbarrier.arrive $0xFFFF;
	s2 =	simm.s32 @!p0 $0x1C05  }
0xb6: {  	[timem:s3], [sflag:s2] =	dma.local @!p0 [hbm:s0], s1  }
0xb7: {  	s0 =	simm.s32 @!p0 $0x5  }
0xb8: {  	_ =	swait.ge @!p0 [sflag:s0], s1  }
0xb9: {  	s1 =	ssub.s32 @!p0 $0x0, s1;
	[sflag:s0] =	ssyncset.done @!p0 $0x0  }
0xba: {  	[sflag:s0] =	ssyncadd.s32 @!p0 s1  }
0xbb: {  	[bflag:$0x3] =	sbarrier.arrive $0xFFFF  }
0xbc: {  	_ =	shalt  }

// kernel: sparse-core-data-format-call.cloned.1.call-start
scs
called_computation_lowered:
.L_overlay_start_0:
0x0: {  	s2 =	sld [smem:$0x3FD9]  }
0x1: {  	s3 =	sld [smem:$0x3FFE];
	_ =	sdelay $0x1  }
0x2: {  	s1 =	srdreg.scid  }
0x3: {  	s0 =	sand.u32 $0x1, s1  }
0x4: {  	s18 =	sshll.u32 s0, $0xA;
	s2 =	sadd.s32 s3, s2  }
0x5: {  	s2 =	sadd.s32 s2, s18  }
0x6: {  	[smem:$0x3FC6] =	sst s2  }
0x7: {  	_ = 	snop  }
0x8: {  	s2 =	sld [smem:$0x3FD0];
	(tm) =	ssettm $0x1  }
0x9: {  	s19 =	sld [smem:$0x3FFB];
	_ =	sdelay $0x3  }
0xa: {  	_ =	strace s19  }
0xb: {  	s3 =	sld [smem:$0x3FFC];
	_ =	sdelay $0x3  }
0xc: {  	_ =	strace s3  }
0xd: {  	s3 =	sld [smem:$0x3FFD];
	_ =	sdelay $0x3  }
0xe: {  	_ =	strace s3  }
0xf: {  	_ =	strace $0x8FFFFFFF  }
0x10: {  	s20 =	sld [smem:$0x3FDB];
	_ =	sdelay $0x1  }
0x11: {  	s4 =	simm.s32 $_scs_section_size  }
0x12: {  	s5 =	simm.s32 $_size__tile_overlayer_lowered;
	s6 =	simm.s32 $_tile_overlayer_lowered  }
0x13: {  	s23 =	simm.s32 $0x1BFF;
	s22 =	sshll.u32 s6, $0x1;
	s3 =	sadd.s32 s4, s20  }
0x14: {  	s7 =	simm.s32 $0x0;
	s21 =	sshll.u32 s5, $0x1;
	s5 =	sadd.s32 s22, s3  }
0x15: {  	[timem:s7], [sflag:s23] =	dma.local [hbm:s5], s21  }
0x16: {  	_ =	swait.ge [sflag:s23], s21  }
0x17: {  	s4 =	ssub.s32 $0x0, s21;
	[sflag:s23] =	ssyncset.done $0x0  }
0x18: {  	[sflag:s23] =	ssyncadd.s32 s4;
	_ =	sdelay $0x1  }
0x19: {  	s24 =	simm.s32 $0x1B8B  }
0x1a: {  	_ =	swait.ge [sflag:s24], $0x1  }
0x1b: {  	[sflag:s24] =	ssyncset.done $0x0  }
0x1c: {  	s26 =	simm.s32 $0x1B8E;
	s25 =	sld [smem:$0x3FFE];
	[sflag:s24] =	ssyncadd.s32 $0xFFFFFFFF  }
0x1d: {  	s27 =	simm.s32 $execute0_lowered;
	[smem:$0x3FD2] =	sst s26  }
0x1e: {  	s5 =	sshll.u32 s27, $0x1;
	_ =	strace $0x80000049;
	[dreg:$0x1] =	wrdreg $0xFFFFFFFF  }
0x1f: {  	s28 =	simm.s32 $_size_execute0_lowered;
	s3 =	sadd.s32 s3, s5;
	[dreg:$0x0] =	wrdreg $0x0  }
0x20: {  	s5 =	sshll.u32 s28, $0x1;
	[dreg:$0x2] =	wrdreg s3  }
0x21: {  	[dreg:$0x3] =	wrdreg s5  }
0x22: {  	[dreg:$0x4] =	wrdreg $0xC0  }
0x23: {  	_ =	task [dreg:s7], $0x5FFFF  }
0x24: {  	[dreg:$0x1] =	wrdreg $0xFFFFFFFF  }
0x25: {  	[dreg:$0x0] =	wrdreg $0x60  }
0x26: {  	[dreg:$0x2] =	wrdreg s25  }
0x27: {  	[dreg:$0x3] =	wrdreg s2  }
0x28: {  	[dreg:$0x4] =	wrdreg $0x9  }
0x29: {  	_ =	task.clear_ibuf [dreg:s7], $0x5FFFF;
	_ =	strace $0x90000049  }
0x2a: {  	s29 =	simm.s32 $0x9;
	_ =	strace $0x8000004B  }
0x2b: {  	_ =	swait.ge [sflag:s29], $0x1  }
0x2c: {  	[sflag:s29] =	ssyncadd.s32 $0xFFFFFFFF  }
0x2d: {  	_ =	strace $0x9000004B  }
0x2e: {  	_ =	sfence  }
0x2f: {  	s30 =	sld [smem:$0x0];
	_ =	sdelay $0x2  }
0x30: {  	s31 =	sshll.u32 s1, $0xD;
	s1 =	sshrl.u32 s1, $0x2  }
0x31: {  	s3 =	sand.u32 $0x4000, s31;
	s1 =	sadd.s32 s1, s30  }
0x32: {  	s0 =	sor.u32 s3, s0;
	s1 =	sshll.u32 s1, $0x11  }
0x33: {  	s0 =	sor.u32 s1, s0  }
0x34: {  	s0 =	sadd.s32 $0x8F2B, s0  }
0x35: {  	[sflag:s0] =	ssyncadd.remote.s32 $0x1  }
0x36: {  	_ =	sfence.sel $0xFFFF  }
0x37: {  	[dreg:$0x0] =	wrdreg $0xFFFFFFFF;
	(pc) =	sbr.abs _section_cstart, $3  }
0x38: {  	[dreg:$0x1] =	wrdreg $0xFFFFFFFF  }
0x39: {  	_ =	task.clear_ibuf [dreg:s7], $0x2FFFF;
	_ =	strace $0x9FFFFFFF  }
0x3a: {  	(tm) =	ssettm $0x7FFFFFFF  }
0x3b: {  	_ =	shalt  }
tec
execute0_lowered:
.L_overlay_start_1:
0x0: {  	(tag) =	ssettag $0x1  }
0x1: {  	s0 =	srdreg.scid  }
0x2: {  	s1 =	sshll.u32 s0, $0x4  }
0x3: {  	s0 =	stileid.u32;
	s1 =	sand.u32 $0x10, s1  }
0x4: {  	s1 =	sor.u32 s0, s1  }
0x5: {  	s6 =	rddreg [dreg:$0x0];
	s4 =	simm.s32 $0x1;
	s2 =	sshll.u32 s1, $0x7  }
0x6: {  	s7 =	simm.s32 $0x2;
	s12 =	simm.s32 $0x0;
	s1 =	ssub.s32 $0x1000, s2  }
0x7: {  	s8 =	simm.s32 $0x8000;
	s13 =	simm.s32 $0x0;
	s3 =	sand.u32 $0xF80, s1  }
0x8: {  	s9 =	simm.s32 $0x0;
	s5 =	sshrl.u32 s1, $0xC;
	p0 =	sne.s32 s3, $0x0  }
.Ltmp0:
0x9: {  	s1 =	rddreg [dreg:$0x2];
	s4 =	simm.s32 @!p0 $0x0;
	(pc) =	sbr.rel .LBB1_1-.Ltmp0, $4  }
0xa: {  	s11 =	simm.s32 $0x0;
	s3 =	rddreg [dreg:$0x1];
	s5 =	sadd.s32 s4, s5  }
0xb: {  	_ =	strace $0x8000004A;
	s4 =	simm.s32 $0x1;
	s5 =	smul.u32 $0xC8, s5  }
0xc: {  	s6 =	sadd.s32 $0xC00, s6;
	s10 =	smov.u32 s2;
	[sflag:s4] =	ssyncpa.u1 $0x0  }
0xd: {  	p0 =	por $0x0, $0x0;
	[sflag:s7] =	ssyncpa.u1 $0x0;
	s7 =	sor.u32 $0x1, s5  }
.LBB1_4:
0xe: {  	s16 =	sshll.u32 s13, $0x3;
	s17 =	sand.u32 $0x78, s13  }
0xf: {  	s30 =	sand.u32 $0x7E00, s13;
	s12 =	sshll.u32 s12, $0xF;
	s16 =	sand.u32 $0xC00, s16  }
0x10: {  	[tilespmem:s15+$0x810 ss:$0x81] =	vst.msk $0xffff, v2;
	s31 =	sand.u32 $0x7, s13;
	s16 =	sor.u32 s17, s16;
	s17 =	sadd.s32 s3, s30  }
0x11: {  	[tilespmem:s15+$0x1020 ss:$0x81] =	vst.msk $0xffff, v0;
	s13 =	sshll.u32 s31, $0x12;
	s12 =	sadd.s32 s12, s17;
	s16 =	sshrl.u32 s16, $0x3  }
0x12: {  	[tilespmem:s15+$0x0 ss:$0x81] =	vst.msk $0xffff, v1;
	s13 =	sor.u32 $0x400, s13;
	s12 =	sadd.s32 s16, s12  }
0x13: {  	[hbm4b:s12+s13] =	stream.strided.scatter [tilespmem:s14], [sflag:$0x2], $0x2000, s8, s13, $0x20;
	[tilespmem:$0x8080] =	vst v63  }
.LBB1_5:
0x14: {  	s14 =	sadd.s32 $0x1, s9  }
0x15: {  	s12 =	sadd.s32 $0x1000, s10;
	s16 =	smov.u32 s10;
	p2 =	sgt.s32 s14, $0xC7  }
0x16: {  	s16 =	smov.u32 @p2 s12  }
0x17: {  	s14 =	simm.s32 @p2 $0x0;
	p2 =	sgt.s32 s16, $0xFFF  }
0x18: {  	s16 =	smov.u32 @p2 s2;
	p2 =	sne.s32 s11, s7  }
.Ltmp1:
0x19: {  	p1 =	slt.u32 s11, $0x2;
	(pc) =	sbr.rel @!p2 .LBB1_6-.Ltmp1, $4  }
0x1a: {  	s15 =	simm.s32 @!p1 $0x2  }
0x1b: {  	s13 =	smov.u32 s10;
	p0 =	por !p0, !p0;
	_ =	swait.ge @!p1 [sflag:s15], $0x2000  }
0x1c: {  	s12 =	smov.u32 s9;
	[sflag:s15] =	ssyncset.done @!p1 $0x0;
	s9 =	smov.u32 s14  }
0x1d: {  	s11 =	sadd.s32 $0x1, s11;
	[sflag:s15] =	ssyncadd.s32 @!p1 $0xFFFFE000;
	s10 =	smov.u32 s16  }
.LBB1_1:
0x1e: {  	p1 =	sge.u32 s11, s5  }
0x1f: {  	s14 =	sand.u32 @!p1 $0x1FFFFFF, s9  }
0x20: {  	s15 =	smulhi.u32 @!p1 $0x147AE15, s14;
	_ =	sdelay $0x1  }
0x21: {  	s15 =	smul.u32 @!p1 $0xC8, s15  }
0x22: {  	s16 =	sxor.u32 @!p1 $0xFFFFFFFF, s11;
	s17 =	smul.u32 @!p1 $0xC80, s10  }
0x23: {  	s31 =	sadd.s32 $0xFFFFFFFF, s11;
	s16 =	sshll.u32 @!p1 s16, $0xD;
	s14 =	ssub.s32 @!p1 s14, s15  }
0x24: {  	s15 =	sand.u32 @!p1 $0x2000, s16;
	s16 =	sadd.s32 @!p1 s6, s17;
	s14 =	sshll.u32 @!p1 s14, $0x4  }
0x25: {  	s17 =	simm.s32 @!p1 $0x6400;
	s14 =	sadd.s32 @!p1 s14, s16;
	s16 =	simm.s32 @!p1 $0x40  }
0x26: {  	[tilespmem:s15], [sflag:$0x1] =	stream.strided.gather @!p1 [hbm4b:s14+s16], $0x2000, s17, s16, $0x38;
	[tilespmem:$0x8080] =	vst v63  }
0x27: {  	p1 =	sge.u32 s31, s5  }
.Ltmp2:
0x28: {  	_ = 	snop;
	(pc) =	sbr.rel @p1 .LBB1_5-.Ltmp2, $1  }
0x29: {  	_ =	sdelay $0x3  }
0x2a: {  	s14 =	simm.s32 $0x1  }
0x2b: {  	_ =	swait.ge [sflag:s4], $0x2000;
	s14 =	simm.s32 @!p0 $0x0  }
0x2c: {  	[sflag:s4] =	ssyncset.done $0x0;
	s15 =	sshll.u32 s14, $0xD  }
0x2d: {  	[sflag:s4] =	ssyncadd.s32 $0xFFFFE000;
	s18 =	sor.u32 $0x20, s15  }
0x2e: {  	s14 =	smul.u32 $0x8100, s14;
	v3 =	vld [tilespmem:s18+$0x10]  }
0x2f: {  	s30 =	sand.u32 $0x1, s11;
	v2 =	vld [tilespmem:s18+$0xFFFFFFF0]  }
0x30: {  	s15 =	smul.u32 $0x8100, s30;
	s14 =	sshrl.u32 s14, $0x2;
	v0 =	vld [tilespmem:s18+$0x0]  }
0x31: {  	v1 =	vld [tilespmem:s18+$0xFFFFFFE0];
	s16 =	sor.u32 $0x4000, s14  }
0x32: {  	s31 =	sshrl.u32 s15, $0x2;
	s15 =	sadd.s32 $0x0, s16  }
0x33: {  	s17 =	simm.s32 $0x4;
	s18 =	sadd.s32 $0x40, s18;
	s14 =	sor.u32 $0x4000, s31;
	[tilespmem:s15+$0x1830 ss:$0x81] =	vst.msk $0xffff, v3  }
.LBB1_3:
0x34: {  	v3 =	vld [tilespmem:s18+$0x10];
	p1 =	sne.s32 s17, $0x1FC;
	[tilespmem:s15+$0x810 ss:$0x81] =	vst.msk $0xffff, v2;
	s19 =	smov.u32 s17;
	s17 =	sadd.s32 $0x4, s17  }
.Ltmp3:
0x35: {  	v2 =	vld [tilespmem:s18+$0xFFFFFFF0];
	[tilespmem:s15+$0x1020 ss:$0x81] =	vst.msk $0xffff, v0;
	(pc) =	sbr.rel @p1 .LBB1_3-.Ltmp3, $4  }
0x36: {  	v0 =	vld [tilespmem:s18+$0x0];
	[tilespmem:s15+$0x0 ss:$0x81] =	vst.msk $0xffff, v1  }
0x37: {  	s15 =	sshra.s32 s19, $0x2;
	v1 =	vld [tilespmem:s18+$0xFFFFFFE0]  }
0x38: {  	s15 =	sadd.s32 s15, s16  }
0x39: {  	s18 =	sadd.s32 $0x40, s18;
	[tilespmem:s15+$0x1830 ss:$0x81] =	vst.msk $0xffff, v3  }
.Ltmp4:
0x3a: {  	_ = 	snop;
	(pc) =	sbr.rel .LBB1_4-.Ltmp4, $1  }
0x3b: {  	_ =	sdelay $0x3  }
.LBB1_6:
0x3c: {  	_ =	sfence.sel $0x180000  }
0x3d: {  	s2 =	simm.s32 $0x1;
	[bflag:$0x0] =	sbarrier.arrive $0xFFFF  }
0x3e: {  	s31 =	simm.s32 $0x2;
	[sflag:s2] =	ssyncpa.u1 $0x1  }
0x3f: {  	[sflag:s31] =	ssyncpa.u1 $0x1  }
0x40: {  	p0 =	sne.s32 s0, $0x0;
	_ =	strace $0x9000004A  }
0x41: {  	s0 =	sadd.s32 @!p0 $0x100000, s1;
	[bflag:$0x2] =	sbarrier.arrive $0xFFFF  }
0x42: {  	[sflag:s0] =	ssyncadd.tile.s32 @!p0 $0x1;
	_ =	shalt  }
.Lfunc_end1:
_tile_overlayer_lowered:
.L_overlay_start_2:
0x43: {  	(tag) =	ssettag $0x2  }
0x44: {  	s0 =	rddreg [dreg:$0x0];
	s2 =	stileid.u32  }
0x45: {  	s1 =	rddreg [dreg:$0x1];
	p0 =	sne.s32 s2, $0x0  }
0x46: {  	s3 =	rddreg [dreg:$0x2];
	[bflag:$0x3] =	sbarrier.arrive $0xFFFF;
	s2 =	simm.s32 @!p0 $0x1C01  }
0x47: {  	[timem:s3], [sflag:s2] =	dma.local @!p0 [hbm:s0], s1  }
0x48: {  	s0 =	simm.s32 @!p0 $0x1  }
0x49: {  	_ =	swait.ge @!p0 [sflag:s0], s1  }
0x4a: {  	s1 =	ssub.s32 @!p0 $0x0, s1;
	[sflag:s0] =	ssyncset.done @!p0 $0x0  }
0x4b: {  	[sflag:s0] =	ssyncadd.s32 @!p0 s1  }
0x4c: {  	[bflag:$0x3] =	sbarrier.arrive $0xFFFF  }
0x4d: {  	_ =	shalt  }

</sc_bundles>
